<compile_context>
chip_gen: v7x
topology: tpu7x:2x2x1
jax: 0.10.2.dev20260603
libtpu: 0.0.44.dev20260713+nightly
codegen_flags: <defaults>
</compile_context>

<pallas_src>
import functools

import jax
import jax.numpy as jnp
from jax import lax
from jax.experimental import pallas as pl
from jax.experimental.pallas import tpu as pltpu
from jax.experimental.pallas import tpu_sc as plsc

B, L, D = 4, 4096, 1024
LANES = 16
NW = 32
ROWS_PER_W = (B * L) // NW
LBLK = 128
DBLK = 128
NLB = ROWS_PER_W // LBLK
NDQ = D // DBLK
NBLK = NLB * NDQ
CHUNKS_PER_B = L // ROWS_PER_W


def _unpool_sc(x4, ind4):
    mesh = plsc.VectorSubcoreMesh(core_axis_name="c", subcore_axis_name="s")

    @functools.partial(
        pl.kernel,
        out_type=jax.ShapeDtypeStruct((B, 2 * L // 8, 8, D), jnp.float32),
        mesh=mesh,
        scratch_types=[
            pltpu.VMEM((8, 8, DBLK), jnp.int32),
            pltpu.VMEM((8, 8, DBLK), jnp.int32),
            pltpu.VMEM((16, 8, DBLK), jnp.float32),
            pltpu.VMEM((16, 8, DBLK), jnp.float32),
            pltpu.VMEM((32, 8, DBLK), jnp.float32),
            pltpu.VMEM((32, 8, DBLK), jnp.float32),
            pltpu.SemaphoreType.DMA,
            pltpu.SemaphoreType.DMA,
            pltpu.SemaphoreType.DMA,
            pltpu.SemaphoreType.DMA,
            pltpu.SemaphoreType.DMA,
            pltpu.SemaphoreType.DMA,
        ],
    )
    def k(x_hbm, ind_hbm, out_hbm, ind_a, ind_b, x_v0, x_v1, out_v0,
          out_v1, sia, sib, sx0, sx1, so0, so1):
        wid = lax.axis_index("s") * 2 + lax.axis_index("c")
        b = wid // CHUNKS_PER_B
        l0_base = (wid % CHUNKS_PER_B) * ROWS_PER_W
        iota = lax.iota(jnp.int32, LANES)
        hi8 = iota // 8
        lo8 = iota % 8

        def split(g):
            return g // NDQ, g % NDQ

        def ind_cp(g, h):
            lb, dq = split(g)
            buf, sem = (ind_a, sia) if h == 0 else (ind_b, sib)
            return pltpu.make_async_copy(
                ind_hbm.at[b, pl.ds(dq * 16 + 8 * h, 8), :,
                           pl.ds(l0_base + lb * LBLK, LBLK)],
                buf, sem)

        def x_cp(g, xv, sem):
            lb, dq = split(g)
            return pltpu.make_async_copy(
                x_hbm.at[b, pl.ds(l0_base // 8 + lb * 16, 16), :,
                         pl.ds(dq * DBLK, DBLK)],
                xv, sem)

        def out_cp(g, ov, sem):
            lb, dq = split(g)
            return pltpu.make_async_copy(
                ov,
                out_hbm.at[b, pl.ds(l0_base // 4 + lb * 32, 32), :,
                           pl.ds(dq * DBLK, DBLK)],
                sem)

        def compute(xv, ov, h):
            buf = ind_a if h == 0 else ind_b
            @functools.partial(plsc.parallel_loop, 0, LBLK // 8)
            def _(lr):
                lr8 = lr * 8
                for ls in range(8):
                    lvec = jnp.full((LANES,), lr8 + ls, jnp.int32)
                    for dv in range(4 * h, 4 * h + 4):
                        gi = plsc.load_gather(
                            buf, [(dv - 4 * h) * 2 + hi8, lo8, lvec])
                        m = (gi & 1) == 1
                        v = xv[lr, ls, pl.ds(dv * LANES, LANES)]
                        r = 2 * ls + 1
                        ov[2 * lr + r // 8, r % 8,
                           pl.ds(dv * LANES, LANES)] = jnp.where(m, v, 0.0)
                        r = 2 * ls
                        ov[2 * lr + r // 8, r % 8,
                           pl.ds(dv * LANES, LANES)] = jnp.where(m, 0.0, v)

        ind_cp(0, 0).start()
        ind_cp(0, 1).start()
        x_cp(0, x_v0, sx0).start()
        x_cp(1, x_v1, sx1).start()

        slots = ((x_v0, sx0, out_v0, so0), (x_v1, sx1, out_v1, so1))

        @pl.loop(0, NBLK // 2)
        def _(gp):
            for s, (xv, sx, ov, so) in enumerate(slots):
                g = gp * 2 + s

                ind_cp(g, 0).wait()
                ind_cp(g, 1).wait()
                x_cp(g, xv, sx).wait()

                @pl.when(g >= 2)
                def _():
                    out_cp(g - 2, ov, so).wait()

                compute(xv, ov, 0)
                compute(xv, ov, 1)
                out_cp(g, ov, so).start()

                @pl.when(g + 1 < NBLK)
                def _():
                    ind_cp(g + 1, 0).start()
                    ind_cp(g + 1, 1).start()

                @pl.when(g + 2 < NBLK)
                def _():
                    x_cp(g + 2, xv, sx).start()

        out_cp(NBLK - 2, out_v0, so0).wait()
        out_cp(NBLK - 1, out_v1, so1).wait()

    return k(x4, ind4)


def kernel(x, indices):
    x4 = x.reshape(B, L // 8, 8, D)
    ind4 = indices.reshape(B, D // 8, 8, L)
    out = _unpool_sc(x4, ind4)
    return out.reshape(B, 2 * L, D)

# --- scband reference (transcript-rebuilt; emitter-appended) ---
"""Pipeline reference for scband-max-unpool-76888504533517 (READ-ONLY COPY).

The authoritative reference and input builder live on the scoring server;
editing this copy changes nothing except your own understanding.
"""

import jax, jax.numpy as jnp
import numpy as np

KERNEL_SIZE = 2
STRIDE = 2
B, L, D = 4, 4096, 1024


def setup_inputs(seed: int = 0) -> dict:
    key = jax.random.key(seed)
    k1, k2 = jax.random.split(key)
    x = jax.random.normal(k1, (B, L, D), dtype=jnp.float32)
    # max_unpool1d indices must point inside each pooling window of the
    # unpooled output: position i scatters to [i*STRIDE, i*STRIDE + KERNEL_SIZE).
    # This matches indices produced by max_pool1d(return_indices=True) and
    # guarantees in-range, collision-free scatter targets.
    offs = jax.random.randint(k2, (B, D, L), 0, KERNEL_SIZE)
    base = (jnp.arange(L) * STRIDE)[None, None, :]
    indices = (base + offs).astype(jnp.int32)
    return {"x": x, "indices": indices}


def reference(x, indices):
    # torch: x (b, l, d) -> rearrange to (b, d, l); indices already (b, d, l)
    xt = jnp.transpose(x, (0, 2, 1))  # (b, d, l)
    b, d, l = xt.shape
    out_len = (l - 1) * STRIDE + KERNEL_SIZE  # = 2*l for k=2, s=2
    bi = jnp.arange(b)[:, None, None]
    di = jnp.arange(d)[None, :, None]
    out = jnp.zeros((b, d, out_len), dtype=x.dtype)
    # scatter-overwrite: F.max_unpool1d places each pooled value at its index,
    # zeros elsewhere
    out = out.at[bi, di, indices].set(xt)
    # rearrange back: (b, d, l_out) -> (b, l_out, d)
    return jnp.transpose(out, (0, 2, 1))

if __name__ == "__main__":
    import jax
    _d = setup_inputs()
    print(jax.jit(kernel)(*tuple(_d.values())))

</pallas_src>

<mosaic_0001>
#map = affine_map<(d0, d1) -> (0, 0, 0, 0)>
module attributes {stable_mosaic.version = 14 : i64} {
  func.func @k(%arg0: i32, %arg1: i32, %arg2: memref<4x512x8x1024xf32, #tpu.memory_space<hbm>>, %arg3: memref<4x128x8x4096xi32, #tpu.memory_space<hbm>>, %arg4: memref<4x1024x8x1024xf32, #tpu.memory_space<hbm>>, %arg5: memref<8x8x128xi32, #tpu.memory_space<vmem>>, %arg6: memref<8x8x128xi32, #tpu.memory_space<vmem>>, %arg7: memref<16x8x128xf32, #tpu.memory_space<vmem>>, %arg8: memref<16x8x128xf32, #tpu.memory_space<vmem>>, %arg9: memref<32x8x128xf32, #tpu.memory_space<vmem>>, %arg10: memref<32x8x128xf32, #tpu.memory_space<vmem>>, %arg11: memref<!tpu.dma_semaphore, #tpu.memory_space<semaphore_mem>>, %arg12: memref<!tpu.dma_semaphore, #tpu.memory_space<semaphore_mem>>, %arg13: memref<!tpu.dma_semaphore, #tpu.memory_space<semaphore_mem>>, %arg14: memref<!tpu.dma_semaphore, #tpu.memory_space<semaphore_mem>>, %arg15: memref<!tpu.dma_semaphore, #tpu.memory_space<semaphore_mem>>, %arg16: memref<!tpu.dma_semaphore, #tpu.memory_space<semaphore_mem>>) attributes {dimension_semantics = [#tpu.dimension_semantics<core_parallel>, #tpu.dimension_semantics<subcore_parallel>], iteration_bounds = array<i64: 2, 16>, scalar_prefetch = 0 : i64, scratch_operands = 12 : i64, tpu.core_type = #tpu.core_type<sc_vector_subcore>, window_params = [{transform_indices = #map}, {transform_indices = #map}, {transform_indices = #map}]} {
    %mul3A = arith.constant 2 : i32
    %mul3A_0 = arith.muli %arg1, %mul3A : i32
    %add3A = arith.addi %mul3A_0, %arg0 : i32
    %jit3A = arith.constant 8 : i32
    %div3A = arith.divsi %add3A, %jit3A : i32
    %sign3A = arith.constant 0 : i32
    %sign3A_1 = arith.cmpi sgt, %add3A, %sign3A : i32
    %sign3A_2 = arith.extui %sign3A_1 : i1 to i32
    %sign3A_3 = arith.constant 0 : i32
    %sign3A_4 = arith.cmpi slt, %add3A, %sign3A_3 : i32
    %sign3A_5 = arith.extui %sign3A_4 : i1 to i32
    %sign3A_6 = arith.subi %sign3A_2, %sign3A_5 : i32
    %sign3A_7 = arith.constant 0 : i32
    %sign3A_8 = arith.cmpi sgt, %jit3A, %sign3A_7 : i32
    %sign3A_9 = arith.extui %sign3A_8 : i1 to i32
    %sign3A_10 = arith.constant 0 : i32
    %sign3A_11 = arith.cmpi slt, %jit3A, %sign3A_10 : i32
    %sign3A_12 = arith.extui %sign3A_11 : i1 to i32
    %sign3A_13 = arith.subi %sign3A_9, %sign3A_12 : i32
    %ne3A = arith.cmpi ne, %sign3A_6, %sign3A_13 : i32
    %rem3A = arith.remsi %add3A, %jit3A : i32
    %ne3A_14 = arith.constant 0 : i32
    %ne3A_15 = arith.cmpi ne, %rem3A, %ne3A_14 : i32
    %and3A = arith.andi %ne3A, %ne3A_15 : i1
    %sub3A = arith.constant 1 : i32
    %sub3A_16 = arith.subi %div3A, %sub3A : i32
    %select_n3A = arith.select %and3A, %sub3A_16, %div3A : i32
    %jit3A_17 = arith.constant 8 : i32
    %eq3A = arith.constant 0 : i32
    %eq3A_18 = arith.cmpi eq, %jit3A_17, %eq3A : i32
    %jit3A_19 = arith.constant 1 : i32
    %select_n3A_20 = arith.select %eq3A_18, %jit3A_19, %jit3A_17 : i32
    %rem3A_21 = arith.remsi %add3A, %select_n3A_20 : i32
    %ne3A_22 = arith.constant 0 : i32
    %ne3A_23 = arith.cmpi ne, %rem3A_21, %ne3A_22 : i32
    %lt3A = arith.constant 0 : i32
    %lt3A_24 = arith.cmpi slt, %rem3A_21, %lt3A : i32
    %lt3A_25 = arith.constant 0 : i32
    %lt3A_26 = arith.cmpi slt, %select_n3A_20, %lt3A_25 : i32
    %ne3A_27 = arith.xori %lt3A_24, %lt3A_26 : i1
    %and3A_28 = arith.andi %ne3A_27, %ne3A_23 : i1
    %add3A_29 = arith.addi %rem3A_21, %select_n3A_20 : i32
    %select_n3A_30 = arith.select %and3A_28, %add3A_29, %rem3A_21 : i32
    %mul3A_31 = arith.constant 512 : i32
    %mul3A_32 = arith.muli %select_n3A_30, %mul3A_31 : i32
    %iota3A = tpu.iota {dimensions = array<i32: 0>} : vector<16xi32>
    %jit3A_33 = arith.constant 8 : i32
    %div3A_34 = vector.broadcast %jit3A_33 : i32 to vector<16xi32>
    %div3A_35 = arith.divsi %iota3A, %div3A_34 : vector<16xi32>
    %sign3A_36 = arith.constant 0 : i32
    %sign3A_37 = vector.broadcast %sign3A_36 : i32 to vector<16xi32>
    %sign3A_38 = arith.cmpi sgt, %iota3A, %sign3A_37 : vector<16xi32>
    %sign3A_39 = arith.extui %sign3A_38 : vector<16xi1> to vector<16xi32>
    %sign3A_40 = arith.constant 0 : i32
    %sign3A_41 = vector.broadcast %sign3A_40 : i32 to vector<16xi32>
    %sign3A_42 = arith.cmpi slt, %iota3A, %sign3A_41 : vector<16xi32>
    %sign3A_43 = arith.extui %sign3A_42 : vector<16xi1> to vector<16xi32>
    %sign3A_44 = arith.subi %sign3A_39, %sign3A_43 : vector<16xi32>
    %sign3A_45 = arith.constant 0 : i32
    %sign3A_46 = arith.cmpi sgt, %jit3A_33, %sign3A_45 : i32
    %sign3A_47 = arith.extui %sign3A_46 : i1 to i32
    %sign3A_48 = arith.constant 0 : i32
    %sign3A_49 = arith.cmpi slt, %jit3A_33, %sign3A_48 : i32
    %sign3A_50 = arith.extui %sign3A_49 : i1 to i32
    %sign3A_51 = arith.subi %sign3A_47, %sign3A_50 : i32
    %ne3A_52 = vector.broadcast %sign3A_51 : i32 to vector<16xi32>
    %ne3A_53 = arith.cmpi ne, %sign3A_44, %ne3A_52 : vector<16xi32>
    %rem3A_54 = vector.broadcast %jit3A_33 : i32 to vector<16xi32>
    %rem3A_55 = arith.remsi %iota3A, %rem3A_54 : vector<16xi32>
    %ne3A_56 = arith.constant 0 : i32
    %ne3A_57 = vector.broadcast %ne3A_56 : i32 to vector<16xi32>
    %ne3A_58 = arith.cmpi ne, %rem3A_55, %ne3A_57 : vector<16xi32>
    %and3A_59 = arith.andi %ne3A_53, %ne3A_58 : vector<16xi1>
    %sub3A_60 = arith.constant 1 : i32
    %sub3A_61 = vector.broadcast %sub3A_60 : i32 to vector<16xi32>
    %sub3A_62 = arith.subi %div3A_35, %sub3A_61 : vector<16xi32>
    %select_n3A_63 = arith.select %and3A_59, %sub3A_62, %div3A_35 : vector<16xi1>, vector<16xi32>
    %jit3A_64 = arith.constant 8 : i32
    %eq3A_65 = arith.constant 0 : i32
    %eq3A_66 = arith.cmpi eq, %jit3A_64, %eq3A_65 : i32
    %jit3A_67 = arith.constant 1 : i32
    %select_n3A_68 = arith.select %eq3A_66, %jit3A_67, %jit3A_64 : i32
    %rem3A_69 = vector.broadcast %select_n3A_68 : i32 to vector<16xi32>
    %rem3A_70 = arith.remsi %iota3A, %rem3A_69 : vector<16xi32>
    %ne3A_71 = arith.constant 0 : i32
    %ne3A_72 = vector.broadcast %ne3A_71 : i32 to vector<16xi32>
    %ne3A_73 = arith.cmpi ne, %rem3A_70, %ne3A_72 : vector<16xi32>
    %lt3A_74 = arith.constant 0 : i32
    %lt3A_75 = vector.broadcast %lt3A_74 : i32 to vector<16xi32>
    %lt3A_76 = arith.cmpi slt, %rem3A_70, %lt3A_75 : vector<16xi32>
    %lt3A_77 = arith.constant 0 : i32
    %lt3A_78 = arith.cmpi slt, %select_n3A_68, %lt3A_77 : i32
    %ne3A_79 = vector.broadcast %lt3A_78 : i1 to vector<16xi1>
    %ne3A_80 = vector.broadcast %ne3A_79 : vector<16xi1> to vector<16xi1>
    %ne3A_81 = arith.xori %lt3A_76, %ne3A_80 : vector<16xi1>
    %and3A_82 = arith.andi %ne3A_81, %ne3A_73 : vector<16xi1>
    %add3A_83 = vector.broadcast %select_n3A_68 : i32 to vector<16xi32>
    %add3A_84 = arith.addi %rem3A_70, %add3A_83 : vector<16xi32>
    %select_n3A_85 = arith.select %and3A_82, %add3A_84, %rem3A_70 : vector<16xi1>, vector<16xi32>
    %add3A_86 = arith.constant 0 : i32
    %add3A_87 = arith.addi %mul3A_32, %add3A_86 : i32
    %dma_start3A = arith.constant 0 : i32
    %dma_start3A_88 = arith.constant 0 : i32
    %dma_start3A_89 = tpu.memref_slice %arg3[%select_n3A, %dma_start3A, %dma_start3A_88, %add3A_87] : memref<4x128x8x4096xi32, #tpu.memory_space<hbm>> -> memref<1x8x8x128xi32, #tpu.memory_space<hbm>>
    %dma_start3A_90 = tpu.memref_squeeze %dma_start3A_89 : memref<1x8x8x128xi32, #tpu.memory_space<hbm>> -> memref<8x8x128xi32, #tpu.memory_space<hbm>>
    %dma_start3A_91 = arith.constant 0 : i32
    %dma_start3A_92 = arith.constant 0 : i32
    %dma_start3A_93 = tpu.memref_slice %arg3[%select_n3A, %dma_start3A_91, %dma_start3A_92, %add3A_87] : memref<4x128x8x4096xi32, #tpu.memory_space<hbm>> -> memref<1x8x8x128xi32, #tpu.memory_space<hbm>>
    %dma_start3A_94 = tpu.memref_squeeze %dma_start3A_93 : memref<1x8x8x128xi32, #tpu.memory_space<hbm>> -> memref<8x8x128xi32, #tpu.memory_space<hbm>>
    tpu.enqueue_dma source(%dma_start3A_94 : memref<8x8x128xi32, #tpu.memory_space<hbm>>) target(%arg5 : memref<8x8x128xi32, #tpu.memory_space<vmem>>) target_semaphore(%arg11 : memref<!tpu.dma_semaphore, #tpu.memory_space<semaphore_mem>>)
    %add3A_95 = arith.constant 0 : i32
    %add3A_96 = arith.addi %mul3A_32, %add3A_95 : i32
    %dma_start3A_97 = arith.constant 8 : i32
    %dma_start3A_98 = arith.constant 0 : i32
    %dma_start3A_99 = tpu.memref_slice %arg3[%select_n3A, %dma_start3A_97, %dma_start3A_98, %add3A_96] : memref<4x128x8x4096xi32, #tpu.memory_space<hbm>> -> memref<1x8x8x128xi32, #tpu.memory_space<hbm>>
    %dma_start3A_100 = tpu.memref_squeeze %dma_start3A_99 : memref<1x8x8x128xi32, #tpu.memory_space<hbm>> -> memref<8x8x128xi32, #tpu.memory_space<hbm>>
    %dma_start3A_101 = arith.constant 8 : i32
    %dma_start3A_102 = arith.constant 0 : i32
    %dma_start3A_103 = tpu.memref_slice %arg3[%select_n3A, %dma_start3A_101, %dma_start3A_102, %add3A_96] : memref<4x128x8x4096xi32, #tpu.memory_space<hbm>> -> memref<1x8x8x128xi32, #tpu.memory_space<hbm>>
    %dma_start3A_104 = tpu.memref_squeeze %dma_start3A_103 : memref<1x8x8x128xi32, #tpu.memory_space<hbm>> -> memref<8x8x128xi32, #tpu.memory_space<hbm>>
    tpu.enqueue_dma source(%dma_start3A_104 : memref<8x8x128xi32, #tpu.memory_space<hbm>>) target(%arg6 : memref<8x8x128xi32, #tpu.memory_space<vmem>>) target_semaphore(%arg12 : memref<!tpu.dma_semaphore, #tpu.memory_space<semaphore_mem>>)
    %jit3A_105 = arith.constant 8 : i32
    %div3A_106 = arith.divsi %mul3A_32, %jit3A_105 : i32
    %sign3A_107 = arith.constant 0 : i32
    %sign3A_108 = arith.cmpi sgt, %mul3A_32, %sign3A_107 : i32
    %sign3A_109 = arith.extui %sign3A_108 : i1 to i32
    %sign3A_110 = arith.constant 0 : i32
    %sign3A_111 = arith.cmpi slt, %mul3A_32, %sign3A_110 : i32
    %sign3A_112 = arith.extui %sign3A_111 : i1 to i32
    %sign3A_113 = arith.subi %sign3A_109, %sign3A_112 : i32
    %sign3A_114 = arith.constant 0 : i32
    %sign3A_115 = arith.cmpi sgt, %jit3A_105, %sign3A_114 : i32
    %sign3A_116 = arith.extui %sign3A_115 : i1 to i32
    %sign3A_117 = arith.constant 0 : i32
    %sign3A_118 = arith.cmpi slt, %jit3A_105, %sign3A_117 : i32
    %sign3A_119 = arith.extui %sign3A_118 : i1 to i32
    %sign3A_120 = arith.subi %sign3A_116, %sign3A_119 : i32
    %ne3A_121 = arith.cmpi ne, %sign3A_113, %sign3A_120 : i32
    %rem3A_122 = arith.remsi %mul3A_32, %jit3A_105 : i32
    %ne3A_123 = arith.constant 0 : i32
    %ne3A_124 = arith.cmpi ne, %rem3A_122, %ne3A_123 : i32
    %and3A_125 = arith.andi %ne3A_121, %ne3A_124 : i1
    %sub3A_126 = arith.constant 1 : i32
    %sub3A_127 = arith.subi %div3A_106, %sub3A_126 : i32
    %select_n3A_128 = arith.select %and3A_125, %sub3A_127, %div3A_106 : i32
    %add3A_129 = arith.constant 0 : i32
    %add3A_130 = arith.addi %select_n3A_128, %add3A_129 : i32
    %dma_start3A_131 = arith.constant 0 : i32
    %dma_start3A_132 = arith.constant 0 : i32
    %dma_start3A_133 = tpu.memref_slice %arg2[%select_n3A, %add3A_130, %dma_start3A_131, %dma_start3A_132] : memref<4x512x8x1024xf32, #tpu.memory_space<hbm>> -> memref<1x16x8x128xf32, #tpu.memory_space<hbm>>
    %dma_start3A_134 = tpu.memref_squeeze %dma_start3A_133 : memref<1x16x8x128xf32, #tpu.memory_space<hbm>> -> memref<16x8x128xf32, #tpu.memory_space<hbm>>
    %dma_start3A_135 = arith.constant 0 : i32
    %dma_start3A_136 = arith.constant 0 : i32
    %dma_start3A_137 = tpu.memref_slice %arg2[%select_n3A, %add3A_130, %dma_start3A_135, %dma_start3A_136] : memref<4x512x8x1024xf32, #tpu.memory_space<hbm>> -> memref<1x16x8x128xf32, #tpu.memory_space<hbm>>
    %dma_start3A_138 = tpu.memref_squeeze %dma_start3A_137 : memref<1x16x8x128xf32, #tpu.memory_space<hbm>> -> memref<16x8x128xf32, #tpu.memory_space<hbm>>
    tpu.enqueue_dma source(%dma_start3A_138 : memref<16x8x128xf32, #tpu.memory_space<hbm>>) target(%arg7 : memref<16x8x128xf32, #tpu.memory_space<vmem>>) target_semaphore(%arg13 : memref<!tpu.dma_semaphore, #tpu.memory_space<semaphore_mem>>)
    %jit3A_139 = arith.constant 8 : i32
    %div3A_140 = arith.divsi %mul3A_32, %jit3A_139 : i32
    %sign3A_141 = arith.constant 0 : i32
    %sign3A_142 = arith.cmpi sgt, %mul3A_32, %sign3A_141 : i32
    %sign3A_143 = arith.extui %sign3A_142 : i1 to i32
    %sign3A_144 = arith.constant 0 : i32
    %sign3A_145 = arith.cmpi slt, %mul3A_32, %sign3A_144 : i32
    %sign3A_146 = arith.extui %sign3A_145 : i1 to i32
    %sign3A_147 = arith.subi %sign3A_143, %sign3A_146 : i32
    %sign3A_148 = arith.constant 0 : i32
    %sign3A_149 = arith.cmpi sgt, %jit3A_139, %sign3A_148 : i32
    %sign3A_150 = arith.extui %sign3A_149 : i1 to i32
    %sign3A_151 = arith.constant 0 : i32
    %sign3A_152 = arith.cmpi slt, %jit3A_139, %sign3A_151 : i32
    %sign3A_153 = arith.extui %sign3A_152 : i1 to i32
    %sign3A_154 = arith.subi %sign3A_150, %sign3A_153 : i32
    %ne3A_155 = arith.cmpi ne, %sign3A_147, %sign3A_154 : i32
    %rem3A_156 = arith.remsi %mul3A_32, %jit3A_139 : i32
    %ne3A_157 = arith.constant 0 : i32
    %ne3A_158 = arith.cmpi ne, %rem3A_156, %ne3A_157 : i32
    %and3A_159 = arith.andi %ne3A_155, %ne3A_158 : i1
    %sub3A_160 = arith.constant 1 : i32
    %sub3A_161 = arith.subi %div3A_140, %sub3A_160 : i32
    %select_n3A_162 = arith.select %and3A_159, %sub3A_161, %div3A_140 : i32
    %add3A_163 = arith.constant 0 : i32
    %add3A_164 = arith.addi %select_n3A_162, %add3A_163 : i32
    %dma_start3A_165 = arith.constant 0 : i32
    %dma_start3A_166 = arith.constant 128 : i32
    %dma_start3A_167 = tpu.memref_slice %arg2[%select_n3A, %add3A_164, %dma_start3A_165, %dma_start3A_166] : memref<4x512x8x1024xf32, #tpu.memory_space<hbm>> -> memref<1x16x8x128xf32, #tpu.memory_space<hbm>>
    %dma_start3A_168 = tpu.memref_squeeze %dma_start3A_167 : memref<1x16x8x128xf32, #tpu.memory_space<hbm>> -> memref<16x8x128xf32, #tpu.memory_space<hbm>>
    %dma_start3A_169 = arith.constant 0 : i32
    %dma_start3A_170 = arith.constant 128 : i32
    %dma_start3A_171 = tpu.memref_slice %arg2[%select_n3A, %add3A_164, %dma_start3A_169, %dma_start3A_170] : memref<4x512x8x1024xf32, #tpu.memory_space<hbm>> -> memref<1x16x8x128xf32, #tpu.memory_space<hbm>>
    %dma_start3A_172 = tpu.memref_squeeze %dma_start3A_171 : memref<1x16x8x128xf32, #tpu.memory_space<hbm>> -> memref<16x8x128xf32, #tpu.memory_space<hbm>>
    tpu.enqueue_dma source(%dma_start3A_172 : memref<16x8x128xf32, #tpu.memory_space<hbm>>) target(%arg8 : memref<16x8x128xf32, #tpu.memory_space<vmem>>) target_semaphore(%arg14 : memref<!tpu.dma_semaphore, #tpu.memory_space<semaphore_mem>>)
    %scan3A = arith.constant 0 : i32
    %scan3A_173 = arith.constant 16 : i32
    %scan3A_174 = arith.addi %scan3A, %scan3A_173 : i32
    %scan3A_175 = arith.constant 1 : i32
    scf.for %scan3A_244 = %scan3A to %scan3A_174 step %scan3A_175  : i32 {
      %mul3A_245 = arith.constant 1 : i32
      %mul3A_246 = arith.muli %scan3A_244, %mul3A_245 : i32
      %add3A_247 = arith.constant 0 : i32
      %add3A_248 = arith.addi %add3A_247, %mul3A_246 : i32
      %mul3A_249 = arith.constant 2 : i32
      %mul3A_250 = arith.muli %add3A_248, %mul3A_249 : i32
      %add3A_251 = arith.constant 0 : i32
      %add3A_252 = arith.addi %mul3A_250, %add3A_251 : i32
      %jit3A_253 = arith.constant 8 : i32
      %div3A_254 = arith.divsi %add3A_252, %jit3A_253 : i32
      %sign3A_255 = arith.constant 0 : i32
      %sign3A_256 = arith.cmpi sgt, %add3A_252, %sign3A_255 : i32
      %sign3A_257 = arith.extui %sign3A_256 : i1 to i32
      %sign3A_258 = arith.constant 0 : i32
      %sign3A_259 = arith.cmpi slt, %add3A_252, %sign3A_258 : i32
      %sign3A_260 = arith.extui %sign3A_259 : i1 to i32
      %sign3A_261 = arith.subi %sign3A_257, %sign3A_260 : i32
      %sign3A_262 = arith.constant 0 : i32
      %sign3A_263 = arith.cmpi sgt, %jit3A_253, %sign3A_262 : i32
      %sign3A_264 = arith.extui %sign3A_263 : i1 to i32
      %sign3A_265 = arith.constant 0 : i32
      %sign3A_266 = arith.cmpi slt, %jit3A_253, %sign3A_265 : i32
      %sign3A_267 = arith.extui %sign3A_266 : i1 to i32
      %sign3A_268 = arith.subi %sign3A_264, %sign3A_267 : i32
      %ne3A_269 = arith.cmpi ne, %sign3A_261, %sign3A_268 : i32
      %rem3A_270 = arith.remsi %add3A_252, %jit3A_253 : i32
      %ne3A_271 = arith.constant 0 : i32
      %ne3A_272 = arith.cmpi ne, %rem3A_270, %ne3A_271 : i32
      %and3A_273 = arith.andi %ne3A_269, %ne3A_272 : i1
      %sub3A_274 = arith.constant 1 : i32
      %sub3A_275 = arith.subi %div3A_254, %sub3A_274 : i32
      %select_n3A_276 = arith.select %and3A_273, %sub3A_275, %div3A_254 : i32
      %jit3A_277 = arith.constant 8 : i32
      %eq3A_278 = arith.constant 0 : i32
      %eq3A_279 = arith.cmpi eq, %jit3A_277, %eq3A_278 : i32
      %jit3A_280 = arith.constant 1 : i32
      %select_n3A_281 = arith.select %eq3A_279, %jit3A_280, %jit3A_277 : i32
      %rem3A_282 = arith.remsi %add3A_252, %select_n3A_281 : i32
      %ne3A_283 = arith.constant 0 : i32
      %ne3A_284 = arith.cmpi ne, %rem3A_282, %ne3A_283 : i32
      %lt3A_285 = arith.constant 0 : i32
      %lt3A_286 = arith.cmpi slt, %rem3A_282, %lt3A_285 : i32
      %lt3A_287 = arith.constant 0 : i32
      %lt3A_288 = arith.cmpi slt, %select_n3A_281, %lt3A_287 : i32
      %ne3A_289 = arith.xori %lt3A_286, %lt3A_288 : i1
      %and3A_290 = arith.andi %ne3A_289, %ne3A_284 : i1
      %add3A_291 = arith.addi %rem3A_282, %select_n3A_281 : i32
      %select_n3A_292 = arith.select %and3A_290, %add3A_291, %rem3A_282 : i32
      %mul3A_293 = arith.constant 16 : i32
      %mul3A_294 = arith.muli %select_n3A_292, %mul3A_293 : i32
      %add3A_295 = arith.constant 0 : i32
      %add3A_296 = arith.addi %mul3A_294, %add3A_295 : i32
      %mul3A_297 = arith.constant 128 : i32
      %mul3A_298 = arith.muli %select_n3A_276, %mul3A_297 : i32
      %add3A_299 = arith.addi %mul3A_32, %mul3A_298 : i32
      %dma_wait3A_300 = arith.constant 0 : i32
      %dma_wait3A_301 = tpu.memref_slice %arg3[%select_n3A, %add3A_296, %dma_wait3A_300, %add3A_299] : memref<4x128x8x4096xi32, #tpu.memory_space<hbm>> -> memref<1x8x8x128xi32, #tpu.memory_space<hbm>>
      %dma_wait3A_302 = tpu.memref_squeeze %dma_wait3A_301 : memref<1x8x8x128xi32, #tpu.memory_space<hbm>> -> memref<8x8x128xi32, #tpu.memory_space<hbm>>
      %dma_wait3A_303 = arith.constant 0 : i32
      %dma_wait3A_304 = tpu.memref_slice %arg3[%select_n3A, %add3A_296, %dma_wait3A_303, %add3A_299] : memref<4x128x8x4096xi32, #tpu.memory_space<hbm>> -> memref<1x8x8x128xi32, #tpu.memory_space<hbm>>
      %dma_wait3A_305 = tpu.memref_squeeze %dma_wait3A_304 : memref<1x8x8x128xi32, #tpu.memory_space<hbm>> -> memref<8x8x128xi32, #tpu.memory_space<hbm>>
      tpu.wait_dma2 semaphore(%arg11 : memref<!tpu.dma_semaphore, #tpu.memory_space<semaphore_mem>>) src(%dma_wait3A_305 : memref<8x8x128xi32, #tpu.memory_space<hbm>>) dst(%arg5 : memref<8x8x128xi32, #tpu.memory_space<vmem>>)
      %jit3A_306 = arith.constant 8 : i32
      %div3A_307 = arith.divsi %add3A_252, %jit3A_306 : i32
      %sign3A_308 = arith.constant 0 : i32
      %sign3A_309 = arith.cmpi sgt, %add3A_252, %sign3A_308 : i32
      %sign3A_310 = arith.extui %sign3A_309 : i1 to i32
      %sign3A_311 = arith.constant 0 : i32
      %sign3A_312 = arith.cmpi slt, %add3A_252, %sign3A_311 : i32
      %sign3A_313 = arith.extui %sign3A_312 : i1 to i32
      %sign3A_314 = arith.subi %sign3A_310, %sign3A_313 : i32
      %sign3A_315 = arith.constant 0 : i32
      %sign3A_316 = arith.cmpi sgt, %jit3A_306, %sign3A_315 : i32
      %sign3A_317 = arith.extui %sign3A_316 : i1 to i32
      %sign3A_318 = arith.constant 0 : i32
      %sign3A_319 = arith.cmpi slt, %jit3A_306, %sign3A_318 : i32
      %sign3A_320 = arith.extui %sign3A_319 : i1 to i32
      %sign3A_321 = arith.subi %sign3A_317, %sign3A_320 : i32
      %ne3A_322 = arith.cmpi ne, %sign3A_314, %sign3A_321 : i32
      %rem3A_323 = arith.remsi %add3A_252, %jit3A_306 : i32
      %ne3A_324 = arith.constant 0 : i32
      %ne3A_325 = arith.cmpi ne, %rem3A_323, %ne3A_324 : i32
      %and3A_326 = arith.andi %ne3A_322, %ne3A_325 : i1
      %sub3A_327 = arith.constant 1 : i32
      %sub3A_328 = arith.subi %div3A_307, %sub3A_327 : i32
      %select_n3A_329 = arith.select %and3A_326, %sub3A_328, %div3A_307 : i32
      %jit3A_330 = arith.constant 8 : i32
      %eq3A_331 = arith.constant 0 : i32
      %eq3A_332 = arith.cmpi eq, %jit3A_330, %eq3A_331 : i32
      %jit3A_333 = arith.constant 1 : i32
      %select_n3A_334 = arith.select %eq3A_332, %jit3A_333, %jit3A_330 : i32
      %rem3A_335 = arith.remsi %add3A_252, %select_n3A_334 : i32
      %ne3A_336 = arith.constant 0 : i32
      %ne3A_337 = arith.cmpi ne, %rem3A_335, %ne3A_336 : i32
      %lt3A_338 = arith.constant 0 : i32
      %lt3A_339 = arith.cmpi slt, %rem3A_335, %lt3A_338 : i32
      %lt3A_340 = arith.constant 0 : i32
      %lt3A_341 = arith.cmpi slt, %select_n3A_334, %lt3A_340 : i32
      %ne3A_342 = arith.xori %lt3A_339, %lt3A_341 : i1
      %and3A_343 = arith.andi %ne3A_342, %ne3A_337 : i1
      %add3A_344 = arith.addi %rem3A_335, %select_n3A_334 : i32
      %select_n3A_345 = arith.select %and3A_343, %add3A_344, %rem3A_335 : i32
      %mul3A_346 = arith.constant 16 : i32
      %mul3A_347 = arith.muli %select_n3A_345, %mul3A_346 : i32
      %add3A_348 = arith.constant 8 : i32
      %add3A_349 = arith.addi %mul3A_347, %add3A_348 : i32
      %mul3A_350 = arith.constant 128 : i32
      %mul3A_351 = arith.muli %select_n3A_329, %mul3A_350 : i32
      %add3A_352 = arith.addi %mul3A_32, %mul3A_351 : i32
      %dma_wait3A_353 = arith.constant 0 : i32
      %dma_wait3A_354 = tpu.memref_slice %arg3[%select_n3A, %add3A_349, %dma_wait3A_353, %add3A_352] : memref<4x128x8x4096xi32, #tpu.memory_space<hbm>> -> memref<1x8x8x128xi32, #tpu.memory_space<hbm>>
      %dma_wait3A_355 = tpu.memref_squeeze %dma_wait3A_354 : memref<1x8x8x128xi32, #tpu.memory_space<hbm>> -> memref<8x8x128xi32, #tpu.memory_space<hbm>>
      %dma_wait3A_356 = arith.constant 0 : i32
      %dma_wait3A_357 = tpu.memref_slice %arg3[%select_n3A, %add3A_349, %dma_wait3A_356, %add3A_352] : memref<4x128x8x4096xi32, #tpu.memory_space<hbm>> -> memref<1x8x8x128xi32, #tpu.memory_space<hbm>>
      %dma_wait3A_358 = tpu.memref_squeeze %dma_wait3A_357 : memref<1x8x8x128xi32, #tpu.memory_space<hbm>> -> memref<8x8x128xi32, #tpu.memory_space<hbm>>
      tpu.wait_dma2 semaphore(%arg12 : memref<!tpu.dma_semaphore, #tpu.memory_space<semaphore_mem>>) src(%dma_wait3A_358 : memref<8x8x128xi32, #tpu.memory_space<hbm>>) dst(%arg6 : memref<8x8x128xi32, #tpu.memory_space<vmem>>)
      %jit3A_359 = arith.constant 8 : i32
      %div3A_360 = arith.divsi %add3A_252, %jit3A_359 : i32
      %sign3A_361 = arith.constant 0 : i32
      %sign3A_362 = arith.cmpi sgt, %add3A_252, %sign3A_361 : i32
      %sign3A_363 = arith.extui %sign3A_362 : i1 to i32
      %sign3A_364 = arith.constant 0 : i32
      %sign3A_365 = arith.cmpi slt, %add3A_252, %sign3A_364 : i32
      %sign3A_366 = arith.extui %sign3A_365 : i1 to i32
      %sign3A_367 = arith.subi %sign3A_363, %sign3A_366 : i32
      %sign3A_368 = arith.constant 0 : i32
      %sign3A_369 = arith.cmpi sgt, %jit3A_359, %sign3A_368 : i32
      %sign3A_370 = arith.extui %sign3A_369 : i1 to i32
      %sign3A_371 = arith.constant 0 : i32
      %sign3A_372 = arith.cmpi slt, %jit3A_359, %sign3A_371 : i32
      %sign3A_373 = arith.extui %sign3A_372 : i1 to i32
      %sign3A_374 = arith.subi %sign3A_370, %sign3A_373 : i32
      %ne3A_375 = arith.cmpi ne, %sign3A_367, %sign3A_374 : i32
      %rem3A_376 = arith.remsi %add3A_252, %jit3A_359 : i32
      %ne3A_377 = arith.constant 0 : i32
      %ne3A_378 = arith.cmpi ne, %rem3A_376, %ne3A_377 : i32
      %and3A_379 = arith.andi %ne3A_375, %ne3A_378 : i1
      %sub3A_380 = arith.constant 1 : i32
      %sub3A_381 = arith.subi %div3A_360, %sub3A_380 : i32
      %select_n3A_382 = arith.select %and3A_379, %sub3A_381, %div3A_360 : i32
      %jit3A_383 = arith.constant 8 : i32
      %eq3A_384 = arith.constant 0 : i32
      %eq3A_385 = arith.cmpi eq, %jit3A_383, %eq3A_384 : i32
      %jit3A_386 = arith.constant 1 : i32
      %select_n3A_387 = arith.select %eq3A_385, %jit3A_386, %jit3A_383 : i32
      %rem3A_388 = arith.remsi %add3A_252, %select_n3A_387 : i32
      %ne3A_389 = arith.constant 0 : i32
      %ne3A_390 = arith.cmpi ne, %rem3A_388, %ne3A_389 : i32
      %lt3A_391 = arith.constant 0 : i32
      %lt3A_392 = arith.cmpi slt, %rem3A_388, %lt3A_391 : i32
      %lt3A_393 = arith.constant 0 : i32
      %lt3A_394 = arith.cmpi slt, %select_n3A_387, %lt3A_393 : i32
      %ne3A_395 = arith.xori %lt3A_392, %lt3A_394 : i1
      %and3A_396 = arith.andi %ne3A_395, %ne3A_390 : i1
      %add3A_397 = arith.addi %rem3A_388, %select_n3A_387 : i32
      %select_n3A_398 = arith.select %and3A_396, %add3A_397, %rem3A_388 : i32
      %jit3A_399 = arith.constant 8 : i32
      %div3A_400 = arith.divsi %mul3A_32, %jit3A_399 : i32
      %sign3A_401 = arith.constant 0 : i32
      %sign3A_402 = arith.cmpi sgt, %mul3A_32, %sign3A_401 : i32
      %sign3A_403 = arith.extui %sign3A_402 : i1 to i32
      %sign3A_404 = arith.constant 0 : i32
      %sign3A_405 = arith.cmpi slt, %mul3A_32, %sign3A_404 : i32
      %sign3A_406 = arith.extui %sign3A_405 : i1 to i32
      %sign3A_407 = arith.subi %sign3A_403, %sign3A_406 : i32
      %sign3A_408 = arith.constant 0 : i32
      %sign3A_409 = arith.cmpi sgt, %jit3A_399, %sign3A_408 : i32
      %sign3A_410 = arith.extui %sign3A_409 : i1 to i32
      %sign3A_411 = arith.constant 0 : i32
      %sign3A_412 = arith.cmpi slt, %jit3A_399, %sign3A_411 : i32
      %sign3A_413 = arith.extui %sign3A_412 : i1 to i32
      %sign3A_414 = arith.subi %sign3A_410, %sign3A_413 : i32
      %ne3A_415 = arith.cmpi ne, %sign3A_407, %sign3A_414 : i32
      %rem3A_416 = arith.remsi %mul3A_32, %jit3A_399 : i32
      %ne3A_417 = arith.constant 0 : i32
      %ne3A_418 = arith.cmpi ne, %rem3A_416, %ne3A_417 : i32
      %and3A_419 = arith.andi %ne3A_415, %ne3A_418 : i1
      %sub3A_420 = arith.constant 1 : i32
      %sub3A_421 = arith.subi %div3A_400, %sub3A_420 : i32
      %select_n3A_422 = arith.select %and3A_419, %sub3A_421, %div3A_400 : i32
      %mul3A_423 = arith.constant 16 : i32
      %mul3A_424 = arith.muli %select_n3A_382, %mul3A_423 : i32
      %add3A_425 = arith.addi %select_n3A_422, %mul3A_424 : i32
      %mul3A_426 = arith.constant 128 : i32
      %mul3A_427 = arith.muli %select_n3A_398, %mul3A_426 : i32
      %dma_wait3A_428 = arith.constant 0 : i32
      %dma_wait3A_429 = tpu.memref_slice %arg2[%select_n3A, %add3A_425, %dma_wait3A_428, %mul3A_427] : memref<4x512x8x1024xf32, #tpu.memory_space<hbm>> -> memref<1x16x8x128xf32, #tpu.memory_space<hbm>>
      %dma_wait3A_430 = tpu.memref_squeeze %dma_wait3A_429 : memref<1x16x8x128xf32, #tpu.memory_space<hbm>> -> memref<16x8x128xf32, #tpu.memory_space<hbm>>
      %dma_wait3A_431 = arith.constant 0 : i32
      %dma_wait3A_432 = tpu.memref_slice %arg2[%select_n3A, %add3A_425, %dma_wait3A_431, %mul3A_427] : memref<4x512x8x1024xf32, #tpu.memory_space<hbm>> -> memref<1x16x8x128xf32, #tpu.memory_space<hbm>>
      %dma_wait3A_433 = tpu.memref_squeeze %dma_wait3A_432 : memref<1x16x8x128xf32, #tpu.memory_space<hbm>> -> memref<16x8x128xf32, #tpu.memory_space<hbm>>
      tpu.wait_dma2 semaphore(%arg13 : memref<!tpu.dma_semaphore, #tpu.memory_space<semaphore_mem>>) src(%dma_wait3A_433 : memref<16x8x128xf32, #tpu.memory_space<hbm>>) dst(%arg7 : memref<16x8x128xf32, #tpu.memory_space<vmem>>)
      %ge3A = arith.constant 2 : i32
      %ge3A_434 = arith.cmpi sge, %add3A_252, %ge3A : i32
      %convert_element_type3A = arith.extui %ge3A_434 : i1 to i32
      %cond3A = arith.constant 0 : i32
      %cond3A_435 = arith.cmpi ne, %convert_element_type3A, %cond3A : i32
      scf.if %cond3A_435 {
        %sub3A_804 = arith.constant 2 : i32
        %sub3A_805 = arith.subi %add3A_252, %sub3A_804 : i32
        %jit3A_806 = arith.constant 8 : i32
        %div3A_807 = arith.divsi %sub3A_805, %jit3A_806 : i32
        %sign3A_808 = arith.constant 0 : i32
        %sign3A_809 = arith.cmpi sgt, %sub3A_805, %sign3A_808 : i32
        %sign3A_810 = arith.extui %sign3A_809 : i1 to i32
        %sign3A_811 = arith.constant 0 : i32
        %sign3A_812 = arith.cmpi slt, %sub3A_805, %sign3A_811 : i32
        %sign3A_813 = arith.extui %sign3A_812 : i1 to i32
        %sign3A_814 = arith.subi %sign3A_810, %sign3A_813 : i32
        %sign3A_815 = arith.constant 0 : i32
        %sign3A_816 = arith.cmpi sgt, %jit3A_806, %sign3A_815 : i32
        %sign3A_817 = arith.extui %sign3A_816 : i1 to i32
        %sign3A_818 = arith.constant 0 : i32
        %sign3A_819 = arith.cmpi slt, %jit3A_806, %sign3A_818 : i32
        %sign3A_820 = arith.extui %sign3A_819 : i1 to i32
        %sign3A_821 = arith.subi %sign3A_817, %sign3A_820 : i32
        %ne3A_822 = arith.cmpi ne, %sign3A_814, %sign3A_821 : i32
        %rem3A_823 = arith.remsi %sub3A_805, %jit3A_806 : i32
        %ne3A_824 = arith.constant 0 : i32
        %ne3A_825 = arith.cmpi ne, %rem3A_823, %ne3A_824 : i32
        %and3A_826 = arith.andi %ne3A_822, %ne3A_825 : i1
        %sub3A_827 = arith.constant 1 : i32
        %sub3A_828 = arith.subi %div3A_807, %sub3A_827 : i32
        %select_n3A_829 = arith.select %and3A_826, %sub3A_828, %div3A_807 : i32
        %jit3A_830 = arith.constant 8 : i32
        %eq3A_831 = arith.constant 0 : i32
        %eq3A_832 = arith.cmpi eq, %jit3A_830, %eq3A_831 : i32
        %jit3A_833 = arith.constant 1 : i32
        %select_n3A_834 = arith.select %eq3A_832, %jit3A_833, %jit3A_830 : i32
        %rem3A_835 = arith.remsi %sub3A_805, %select_n3A_834 : i32
        %ne3A_836 = arith.constant 0 : i32
        %ne3A_837 = arith.cmpi ne, %rem3A_835, %ne3A_836 : i32
        %lt3A_838 = arith.constant 0 : i32
        %lt3A_839 = arith.cmpi slt, %rem3A_835, %lt3A_838 : i32
        %lt3A_840 = arith.constant 0 : i32
        %lt3A_841 = arith.cmpi slt, %select_n3A_834, %lt3A_840 : i32
        %ne3A_842 = arith.xori %lt3A_839, %lt3A_841 : i1
        %and3A_843 = arith.andi %ne3A_842, %ne3A_837 : i1
        %add3A_844 = arith.addi %rem3A_835, %select_n3A_834 : i32
        %select_n3A_845 = arith.select %and3A_843, %add3A_844, %rem3A_835 : i32
        %jit3A_846 = arith.constant 4 : i32
        %div3A_847 = arith.divsi %mul3A_32, %jit3A_846 : i32
        %sign3A_848 = arith.constant 0 : i32
        %sign3A_849 = arith.cmpi sgt, %mul3A_32, %sign3A_848 : i32
        %sign3A_850 = arith.extui %sign3A_849 : i1 to i32
        %sign3A_851 = arith.constant 0 : i32
        %sign3A_852 = arith.cmpi slt, %mul3A_32, %sign3A_851 : i32
        %sign3A_853 = arith.extui %sign3A_852 : i1 to i32
        %sign3A_854 = arith.subi %sign3A_850, %sign3A_853 : i32
        %sign3A_855 = arith.constant 0 : i32
        %sign3A_856 = arith.cmpi sgt, %jit3A_846, %sign3A_855 : i32
        %sign3A_857 = arith.extui %sign3A_856 : i1 to i32
        %sign3A_858 = arith.constant 0 : i32
        %sign3A_859 = arith.cmpi slt, %jit3A_846, %sign3A_858 : i32
        %sign3A_860 = arith.extui %sign3A_859 : i1 to i32
        %sign3A_861 = arith.subi %sign3A_857, %sign3A_860 : i32
        %ne3A_862 = arith.cmpi ne, %sign3A_854, %sign3A_861 : i32
        %rem3A_863 = arith.remsi %mul3A_32, %jit3A_846 : i32
        %ne3A_864 = arith.constant 0 : i32
        %ne3A_865 = arith.cmpi ne, %rem3A_863, %ne3A_864 : i32
        %and3A_866 = arith.andi %ne3A_862, %ne3A_865 : i1
        %sub3A_867 = arith.constant 1 : i32
        %sub3A_868 = arith.subi %div3A_847, %sub3A_867 : i32
        %select_n3A_869 = arith.select %and3A_866, %sub3A_868, %div3A_847 : i32
        %mul3A_870 = arith.constant 32 : i32
        %mul3A_871 = arith.muli %select_n3A_829, %mul3A_870 : i32
        %add3A_872 = arith.addi %select_n3A_869, %mul3A_871 : i32
        %mul3A_873 = arith.constant 128 : i32
        %mul3A_874 = arith.muli %select_n3A_845, %mul3A_873 : i32
        %dma_wait3A_875 = arith.constant 0 : i32
        %dma_wait3A_876 = tpu.memref_slice %arg4[%select_n3A, %add3A_872, %dma_wait3A_875, %mul3A_874] : memref<4x1024x8x1024xf32, #tpu.memory_space<hbm>> -> memref<1x32x8x128xf32, #tpu.memory_space<hbm>>
        %dma_wait3A_877 = tpu.memref_squeeze %dma_wait3A_876 : memref<1x32x8x128xf32, #tpu.memory_space<hbm>> -> memref<32x8x128xf32, #tpu.memory_space<hbm>>
        %dma_wait3A_878 = arith.constant 0 : i32
        %dma_wait3A_879 = tpu.memref_slice %arg4[%select_n3A, %add3A_872, %dma_wait3A_878, %mul3A_874] : memref<4x1024x8x1024xf32, #tpu.memory_space<hbm>> -> memref<1x32x8x128xf32, #tpu.memory_space<hbm>>
        %dma_wait3A_880 = tpu.memref_squeeze %dma_wait3A_879 : memref<1x32x8x128xf32, #tpu.memory_space<hbm>> -> memref<32x8x128xf32, #tpu.memory_space<hbm>>
        tpu.wait_dma2 semaphore(%arg15 : memref<!tpu.dma_semaphore, #tpu.memory_space<semaphore_mem>>) src(%arg9 : memref<32x8x128xf32, #tpu.memory_space<vmem>>) dst(%dma_wait3A_880 : memref<32x8x128xf32, #tpu.memory_space<hbm>>)
      } else {
      }
      %jit3A_436 = arith.constant 8 : i32
      %div3A_437 = arith.divsi %add3A_252, %jit3A_436 : i32
      %sign3A_438 = arith.constant 0 : i32
      %sign3A_439 = arith.cmpi sgt, %add3A_252, %sign3A_438 : i32
      %sign3A_440 = arith.extui %sign3A_439 : i1 to i32
      %sign3A_441 = arith.constant 0 : i32
      %sign3A_442 = arith.cmpi slt, %add3A_252, %sign3A_441 : i32
      %sign3A_443 = arith.extui %sign3A_442 : i1 to i32
      %sign3A_444 = arith.subi %sign3A_440, %sign3A_443 : i32
      %sign3A_445 = arith.constant 0 : i32
      %sign3A_446 = arith.cmpi sgt, %jit3A_436, %sign3A_445 : i32
      %sign3A_447 = arith.extui %sign3A_446 : i1 to i32
      %sign3A_448 = arith.constant 0 : i32
      %sign3A_449 = arith.cmpi slt, %jit3A_436, %sign3A_448 : i32
      %sign3A_450 = arith.extui %sign3A_449 : i1 to i32
      %sign3A_451 = arith.subi %sign3A_447, %sign3A_450 : i32
      %ne3A_452 = arith.cmpi ne, %sign3A_444, %sign3A_451 : i32
      %rem3A_453 = arith.remsi %add3A_252, %jit3A_436 : i32
      %ne3A_454 = arith.constant 0 : i32
      %ne3A_455 = arith.cmpi ne, %rem3A_453, %ne3A_454 : i32
      %and3A_456 = arith.andi %ne3A_452, %ne3A_455 : i1
      %sub3A_457 = arith.constant 1 : i32
      %sub3A_458 = arith.subi %div3A_437, %sub3A_457 : i32
      %select_n3A_459 = arith.select %and3A_456, %sub3A_458, %div3A_437 : i32
      %jit3A_460 = arith.constant 8 : i32
      %eq3A_461 = arith.constant 0 : i32
      %eq3A_462 = arith.cmpi eq, %jit3A_460, %eq3A_461 : i32
      %jit3A_463 = arith.constant 1 : i32
      %select_n3A_464 = arith.select %eq3A_462, %jit3A_463, %jit3A_460 : i32
      %rem3A_465 = arith.remsi %add3A_252, %select_n3A_464 : i32
      %ne3A_466 = arith.constant 0 : i32
      %ne3A_467 = arith.cmpi ne, %rem3A_465, %ne3A_466 : i32
      %lt3A_468 = arith.constant 0 : i32
      %lt3A_469 = arith.cmpi slt, %rem3A_465, %lt3A_468 : i32
      %lt3A_470 = arith.constant 0 : i32
      %lt3A_471 = arith.cmpi slt, %select_n3A_464, %lt3A_470 : i32
      %ne3A_472 = arith.xori %lt3A_469, %lt3A_471 : i1
      %and3A_473 = arith.andi %ne3A_472, %ne3A_467 : i1
      %add3A_474 = arith.addi %rem3A_465, %select_n3A_464 : i32
      %select_n3A_475 = arith.select %and3A_473, %add3A_474, %rem3A_465 : i32
      %jit3A_476 = arith.constant 4 : i32
      %div3A_477 = arith.divsi %mul3A_32, %jit3A_476 : i32
      %sign3A_478 = arith.constant 0 : i32
      %sign3A_479 = arith.cmpi sgt, %mul3A_32, %sign3A_478 : i32
      %sign3A_480 = arith.extui %sign3A_479 : i1 to i32
      %sign3A_481 = arith.constant 0 : i32
      %sign3A_482 = arith.cmpi slt, %mul3A_32, %sign3A_481 : i32
      %sign3A_483 = arith.extui %sign3A_482 : i1 to i32
      %sign3A_484 = arith.subi %sign3A_480, %sign3A_483 : i32
      %sign3A_485 = arith.constant 0 : i32
      %sign3A_486 = arith.cmpi sgt, %jit3A_476, %sign3A_485 : i32
      %sign3A_487 = arith.extui %sign3A_486 : i1 to i32
      %sign3A_488 = arith.constant 0 : i32
      %sign3A_489 = arith.cmpi slt, %jit3A_476, %sign3A_488 : i32
      %sign3A_490 = arith.extui %sign3A_489 : i1 to i32
      %sign3A_491 = arith.subi %sign3A_487, %sign3A_490 : i32
      %ne3A_492 = arith.cmpi ne, %sign3A_484, %sign3A_491 : i32
      %rem3A_493 = arith.remsi %mul3A_32, %jit3A_476 : i32
      %ne3A_494 = arith.constant 0 : i32
      %ne3A_495 = arith.cmpi ne, %rem3A_493, %ne3A_494 : i32
      %and3A_496 = arith.andi %ne3A_492, %ne3A_495 : i1
      %sub3A_497 = arith.constant 1 : i32
      %sub3A_498 = arith.subi %div3A_477, %sub3A_497 : i32
      %select_n3A_499 = arith.select %and3A_496, %sub3A_498, %div3A_477 : i32
      %mul3A_500 = arith.constant 32 : i32
      %mul3A_501 = arith.muli %select_n3A_459, %mul3A_500 : i32
      %add3A_502 = arith.addi %select_n3A_499, %mul3A_501 : i32
      %mul3A_503 = arith.constant 128 : i32
      %mul3A_504 = arith.muli %select_n3A_475, %mul3A_503 : i32
      %dma_start3A_505 = arith.constant 0 : i32
      %dma_start3A_506 = tpu.memref_slice %arg4[%select_n3A, %add3A_502, %dma_start3A_505, %mul3A_504] : memref<4x1024x8x1024xf32, #tpu.memory_space<hbm>> -> memref<1x32x8x128xf32, #tpu.memory_space<hbm>>
      %dma_start3A_507 = tpu.memref_squeeze %dma_start3A_506 : memref<1x32x8x128xf32, #tpu.memory_space<hbm>> -> memref<32x8x128xf32, #tpu.memory_space<hbm>>
      %dma_start3A_508 = arith.constant 0 : i32
      %dma_start3A_509 = tpu.memref_slice %arg4[%select_n3A, %add3A_502, %dma_start3A_508, %mul3A_504] : memref<4x1024x8x1024xf32, #tpu.memory_space<hbm>> -> memref<1x32x8x128xf32, #tpu.memory_space<hbm>>
      %dma_start3A_510 = tpu.memref_squeeze %dma_start3A_509 : memref<1x32x8x128xf32, #tpu.memory_space<hbm>> -> memref<32x8x128xf32, #tpu.memory_space<hbm>>
      tpu.enqueue_dma source(%arg9 : memref<32x8x128xf32, #tpu.memory_space<vmem>>) target(%dma_start3A_510 : memref<32x8x128xf32, #tpu.memory_space<hbm>>) target_semaphore(%arg15 : memref<!tpu.dma_semaphore, #tpu.memory_space<semaphore_mem>>)
      %add3A_511 = arith.constant 1 : i32
      %add3A_512 = arith.addi %add3A_252, %add3A_511 : i32
      %lt3A_513 = arith.constant 32 : i32
      %lt3A_514 = arith.cmpi slt, %add3A_512, %lt3A_513 : i32
      %convert_element_type3A_515 = arith.extui %lt3A_514 : i1 to i32
      %cond3A_516 = arith.constant 0 : i32
      %cond3A_517 = arith.cmpi ne, %convert_element_type3A_515, %cond3A_516 : i32
      scf.if %cond3A_517 {
        %add3A_804 = arith.constant 1 : i32
        %add3A_805 = arith.addi %add3A_252, %add3A_804 : i32
        %jit3A_806 = arith.constant 8 : i32
        %div3A_807 = arith.divsi %add3A_805, %jit3A_806 : i32
        %sign3A_808 = arith.constant 0 : i32
        %sign3A_809 = arith.cmpi sgt, %add3A_805, %sign3A_808 : i32
        %sign3A_810 = arith.extui %sign3A_809 : i1 to i32
        %sign3A_811 = arith.constant 0 : i32
        %sign3A_812 = arith.cmpi slt, %add3A_805, %sign3A_811 : i32
        %sign3A_813 = arith.extui %sign3A_812 : i1 to i32
        %sign3A_814 = arith.subi %sign3A_810, %sign3A_813 : i32
        %sign3A_815 = arith.constant 0 : i32
        %sign3A_816 = arith.cmpi sgt, %jit3A_806, %sign3A_815 : i32
        %sign3A_817 = arith.extui %sign3A_816 : i1 to i32
        %sign3A_818 = arith.constant 0 : i32
        %sign3A_819 = arith.cmpi slt, %jit3A_806, %sign3A_818 : i32
        %sign3A_820 = arith.extui %sign3A_819 : i1 to i32
        %sign3A_821 = arith.subi %sign3A_817, %sign3A_820 : i32
        %ne3A_822 = arith.cmpi ne, %sign3A_814, %sign3A_821 : i32
        %rem3A_823 = arith.remsi %add3A_805, %jit3A_806 : i32
        %ne3A_824 = arith.constant 0 : i32
        %ne3A_825 = arith.cmpi ne, %rem3A_823, %ne3A_824 : i32
        %and3A_826 = arith.andi %ne3A_822, %ne3A_825 : i1
        %sub3A_827 = arith.constant 1 : i32
        %sub3A_828 = arith.subi %div3A_807, %sub3A_827 : i32
        %select_n3A_829 = arith.select %and3A_826, %sub3A_828, %div3A_807 : i32
        %jit3A_830 = arith.constant 8 : i32
        %eq3A_831 = arith.constant 0 : i32
        %eq3A_832 = arith.cmpi eq, %jit3A_830, %eq3A_831 : i32
        %jit3A_833 = arith.constant 1 : i32
        %select_n3A_834 = arith.select %eq3A_832, %jit3A_833, %jit3A_830 : i32
        %rem3A_835 = arith.remsi %add3A_805, %select_n3A_834 : i32
        %ne3A_836 = arith.constant 0 : i32
        %ne3A_837 = arith.cmpi ne, %rem3A_835, %ne3A_836 : i32
        %lt3A_838 = arith.constant 0 : i32
        %lt3A_839 = arith.cmpi slt, %rem3A_835, %lt3A_838 : i32
        %lt3A_840 = arith.constant 0 : i32
        %lt3A_841 = arith.cmpi slt, %select_n3A_834, %lt3A_840 : i32
        %ne3A_842 = arith.xori %lt3A_839, %lt3A_841 : i1
        %and3A_843 = arith.andi %ne3A_842, %ne3A_837 : i1
        %add3A_844 = arith.addi %rem3A_835, %select_n3A_834 : i32
        %select_n3A_845 = arith.select %and3A_843, %add3A_844, %rem3A_835 : i32
        %mul3A_846 = arith.constant 16 : i32
        %mul3A_847 = arith.muli %select_n3A_845, %mul3A_846 : i32
        %add3A_848 = arith.constant 0 : i32
        %add3A_849 = arith.addi %mul3A_847, %add3A_848 : i32
        %mul3A_850 = arith.constant 128 : i32
        %mul3A_851 = arith.muli %select_n3A_829, %mul3A_850 : i32
        %add3A_852 = arith.addi %mul3A_32, %mul3A_851 : i32
        %dma_start3A_853 = arith.constant 0 : i32
        %dma_start3A_854 = tpu.memref_slice %arg3[%select_n3A, %add3A_849, %dma_start3A_853, %add3A_852] : memref<4x128x8x4096xi32, #tpu.memory_space<hbm>> -> memref<1x8x8x128xi32, #tpu.memory_space<hbm>>
        %dma_start3A_855 = tpu.memref_squeeze %dma_start3A_854 : memref<1x8x8x128xi32, #tpu.memory_space<hbm>> -> memref<8x8x128xi32, #tpu.memory_space<hbm>>
        %dma_start3A_856 = arith.constant 0 : i32
        %dma_start3A_857 = tpu.memref_slice %arg3[%select_n3A, %add3A_849, %dma_start3A_856, %add3A_852] : memref<4x128x8x4096xi32, #tpu.memory_space<hbm>> -> memref<1x8x8x128xi32, #tpu.memory_space<hbm>>
        %dma_start3A_858 = tpu.memref_squeeze %dma_start3A_857 : memref<1x8x8x128xi32, #tpu.memory_space<hbm>> -> memref<8x8x128xi32, #tpu.memory_space<hbm>>
        tpu.enqueue_dma source(%dma_start3A_858 : memref<8x8x128xi32, #tpu.memory_space<hbm>>) target(%arg5 : memref<8x8x128xi32, #tpu.memory_space<vmem>>) target_semaphore(%arg11 : memref<!tpu.dma_semaphore, #tpu.memory_space<semaphore_mem>>)
        %add3A_859 = arith.constant 1 : i32
        %add3A_860 = arith.addi %add3A_252, %add3A_859 : i32
        %jit3A_861 = arith.constant 8 : i32
        %div3A_862 = arith.divsi %add3A_860, %jit3A_861 : i32
        %sign3A_863 = arith.constant 0 : i32
        %sign3A_864 = arith.cmpi sgt, %add3A_860, %sign3A_863 : i32
        %sign3A_865 = arith.extui %sign3A_864 : i1 to i32
        %sign3A_866 = arith.constant 0 : i32
        %sign3A_867 = arith.cmpi slt, %add3A_860, %sign3A_866 : i32
        %sign3A_868 = arith.extui %sign3A_867 : i1 to i32
        %sign3A_869 = arith.subi %sign3A_865, %sign3A_868 : i32
        %sign3A_870 = arith.constant 0 : i32
        %sign3A_871 = arith.cmpi sgt, %jit3A_861, %sign3A_870 : i32
        %sign3A_872 = arith.extui %sign3A_871 : i1 to i32
        %sign3A_873 = arith.constant 0 : i32
        %sign3A_874 = arith.cmpi slt, %jit3A_861, %sign3A_873 : i32
        %sign3A_875 = arith.extui %sign3A_874 : i1 to i32
        %sign3A_876 = arith.subi %sign3A_872, %sign3A_875 : i32
        %ne3A_877 = arith.cmpi ne, %sign3A_869, %sign3A_876 : i32
        %rem3A_878 = arith.remsi %add3A_860, %jit3A_861 : i32
        %ne3A_879 = arith.constant 0 : i32
        %ne3A_880 = arith.cmpi ne, %rem3A_878, %ne3A_879 : i32
        %and3A_881 = arith.andi %ne3A_877, %ne3A_880 : i1
        %sub3A_882 = arith.constant 1 : i32
        %sub3A_883 = arith.subi %div3A_862, %sub3A_882 : i32
        %select_n3A_884 = arith.select %and3A_881, %sub3A_883, %div3A_862 : i32
        %jit3A_885 = arith.constant 8 : i32
        %eq3A_886 = arith.constant 0 : i32
        %eq3A_887 = arith.cmpi eq, %jit3A_885, %eq3A_886 : i32
        %jit3A_888 = arith.constant 1 : i32
        %select_n3A_889 = arith.select %eq3A_887, %jit3A_888, %jit3A_885 : i32
        %rem3A_890 = arith.remsi %add3A_860, %select_n3A_889 : i32
        %ne3A_891 = arith.constant 0 : i32
        %ne3A_892 = arith.cmpi ne, %rem3A_890, %ne3A_891 : i32
        %lt3A_893 = arith.constant 0 : i32
        %lt3A_894 = arith.cmpi slt, %rem3A_890, %lt3A_893 : i32
        %lt3A_895 = arith.constant 0 : i32
        %lt3A_896 = arith.cmpi slt, %select_n3A_889, %lt3A_895 : i32
        %ne3A_897 = arith.xori %lt3A_894, %lt3A_896 : i1
        %and3A_898 = arith.andi %ne3A_897, %ne3A_892 : i1
        %add3A_899 = arith.addi %rem3A_890, %select_n3A_889 : i32
        %select_n3A_900 = arith.select %and3A_898, %add3A_899, %rem3A_890 : i32
        %mul3A_901 = arith.constant 16 : i32
        %mul3A_902 = arith.muli %select_n3A_900, %mul3A_901 : i32
        %add3A_903 = arith.constant 8 : i32
        %add3A_904 = arith.addi %mul3A_902, %add3A_903 : i32
        %mul3A_905 = arith.constant 128 : i32
        %mul3A_906 = arith.muli %select_n3A_884, %mul3A_905 : i32
        %add3A_907 = arith.addi %mul3A_32, %mul3A_906 : i32
        %dma_start3A_908 = arith.constant 0 : i32
        %dma_start3A_909 = tpu.memref_slice %arg3[%select_n3A, %add3A_904, %dma_start3A_908, %add3A_907] : memref<4x128x8x4096xi32, #tpu.memory_space<hbm>> -> memref<1x8x8x128xi32, #tpu.memory_space<hbm>>
        %dma_start3A_910 = tpu.memref_squeeze %dma_start3A_909 : memref<1x8x8x128xi32, #tpu.memory_space<hbm>> -> memref<8x8x128xi32, #tpu.memory_space<hbm>>
        %dma_start3A_911 = arith.constant 0 : i32
        %dma_start3A_912 = tpu.memref_slice %arg3[%select_n3A, %add3A_904, %dma_start3A_911, %add3A_907] : memref<4x128x8x4096xi32, #tpu.memory_space<hbm>> -> memref<1x8x8x128xi32, #tpu.memory_space<hbm>>
        %dma_start3A_913 = tpu.memref_squeeze %dma_start3A_912 : memref<1x8x8x128xi32, #tpu.memory_space<hbm>> -> memref<8x8x128xi32, #tpu.memory_space<hbm>>
        tpu.enqueue_dma source(%dma_start3A_913 : memref<8x8x128xi32, #tpu.memory_space<hbm>>) target(%arg6 : memref<8x8x128xi32, #tpu.memory_space<vmem>>) target_semaphore(%arg12 : memref<!tpu.dma_semaphore, #tpu.memory_space<semaphore_mem>>)
      } else {
      }
      %add3A_518 = arith.constant 2 : i32
      %add3A_519 = arith.addi %add3A_252, %add3A_518 : i32
      %lt3A_520 = arith.constant 32 : i32
      %lt3A_521 = arith.cmpi slt, %add3A_519, %lt3A_520 : i32
      %convert_element_type3A_522 = arith.extui %lt3A_521 : i1 to i32
      %cond3A_523 = arith.constant 0 : i32
      %cond3A_524 = arith.cmpi ne, %convert_element_type3A_522, %cond3A_523 : i32
      scf.if %cond3A_524 {
        %add3A_804 = arith.constant 2 : i32
        %add3A_805 = arith.addi %add3A_252, %add3A_804 : i32
        %jit3A_806 = arith.constant 8 : i32
        %div3A_807 = arith.divsi %add3A_805, %jit3A_806 : i32
        %sign3A_808 = arith.constant 0 : i32
        %sign3A_809 = arith.cmpi sgt, %add3A_805, %sign3A_808 : i32
        %sign3A_810 = arith.extui %sign3A_809 : i1 to i32
        %sign3A_811 = arith.constant 0 : i32
        %sign3A_812 = arith.cmpi slt, %add3A_805, %sign3A_811 : i32
        %sign3A_813 = arith.extui %sign3A_812 : i1 to i32
        %sign3A_814 = arith.subi %sign3A_810, %sign3A_813 : i32
        %sign3A_815 = arith.constant 0 : i32
        %sign3A_816 = arith.cmpi sgt, %jit3A_806, %sign3A_815 : i32
        %sign3A_817 = arith.extui %sign3A_816 : i1 to i32
        %sign3A_818 = arith.constant 0 : i32
        %sign3A_819 = arith.cmpi slt, %jit3A_806, %sign3A_818 : i32
        %sign3A_820 = arith.extui %sign3A_819 : i1 to i32
        %sign3A_821 = arith.subi %sign3A_817, %sign3A_820 : i32
        %ne3A_822 = arith.cmpi ne, %sign3A_814, %sign3A_821 : i32
        %rem3A_823 = arith.remsi %add3A_805, %jit3A_806 : i32
        %ne3A_824 = arith.constant 0 : i32
        %ne3A_825 = arith.cmpi ne, %rem3A_823, %ne3A_824 : i32
        %and3A_826 = arith.andi %ne3A_822, %ne3A_825 : i1
        %sub3A_827 = arith.constant 1 : i32
        %sub3A_828 = arith.subi %div3A_807, %sub3A_827 : i32
        %select_n3A_829 = arith.select %and3A_826, %sub3A_828, %div3A_807 : i32
        %jit3A_830 = arith.constant 8 : i32
        %eq3A_831 = arith.constant 0 : i32
        %eq3A_832 = arith.cmpi eq, %jit3A_830, %eq3A_831 : i32
        %jit3A_833 = arith.constant 1 : i32
        %select_n3A_834 = arith.select %eq3A_832, %jit3A_833, %jit3A_830 : i32
        %rem3A_835 = arith.remsi %add3A_805, %select_n3A_834 : i32
        %ne3A_836 = arith.constant 0 : i32
        %ne3A_837 = arith.cmpi ne, %rem3A_835, %ne3A_836 : i32
        %lt3A_838 = arith.constant 0 : i32
        %lt3A_839 = arith.cmpi slt, %rem3A_835, %lt3A_838 : i32
        %lt3A_840 = arith.constant 0 : i32
        %lt3A_841 = arith.cmpi slt, %select_n3A_834, %lt3A_840 : i32
        %ne3A_842 = arith.xori %lt3A_839, %lt3A_841 : i1
        %and3A_843 = arith.andi %ne3A_842, %ne3A_837 : i1
        %add3A_844 = arith.addi %rem3A_835, %select_n3A_834 : i32
        %select_n3A_845 = arith.select %and3A_843, %add3A_844, %rem3A_835 : i32
        %jit3A_846 = arith.constant 8 : i32
        %div3A_847 = arith.divsi %mul3A_32, %jit3A_846 : i32
        %sign3A_848 = arith.constant 0 : i32
        %sign3A_849 = arith.cmpi sgt, %mul3A_32, %sign3A_848 : i32
        %sign3A_850 = arith.extui %sign3A_849 : i1 to i32
        %sign3A_851 = arith.constant 0 : i32
        %sign3A_852 = arith.cmpi slt, %mul3A_32, %sign3A_851 : i32
        %sign3A_853 = arith.extui %sign3A_852 : i1 to i32
        %sign3A_854 = arith.subi %sign3A_850, %sign3A_853 : i32
        %sign3A_855 = arith.constant 0 : i32
        %sign3A_856 = arith.cmpi sgt, %jit3A_846, %sign3A_855 : i32
        %sign3A_857 = arith.extui %sign3A_856 : i1 to i32
        %sign3A_858 = arith.constant 0 : i32
        %sign3A_859 = arith.cmpi slt, %jit3A_846, %sign3A_858 : i32
        %sign3A_860 = arith.extui %sign3A_859 : i1 to i32
        %sign3A_861 = arith.subi %sign3A_857, %sign3A_860 : i32
        %ne3A_862 = arith.cmpi ne, %sign3A_854, %sign3A_861 : i32
        %rem3A_863 = arith.remsi %mul3A_32, %jit3A_846 : i32
        %ne3A_864 = arith.constant 0 : i32
        %ne3A_865 = arith.cmpi ne, %rem3A_863, %ne3A_864 : i32
        %and3A_866 = arith.andi %ne3A_862, %ne3A_865 : i1
        %sub3A_867 = arith.constant 1 : i32
        %sub3A_868 = arith.subi %div3A_847, %sub3A_867 : i32
        %select_n3A_869 = arith.select %and3A_866, %sub3A_868, %div3A_847 : i32
        %mul3A_870 = arith.constant 16 : i32
        %mul3A_871 = arith.muli %select_n3A_829, %mul3A_870 : i32
        %add3A_872 = arith.addi %select_n3A_869, %mul3A_871 : i32
        %mul3A_873 = arith.constant 128 : i32
        %mul3A_874 = arith.muli %select_n3A_845, %mul3A_873 : i32
        %dma_start3A_875 = arith.constant 0 : i32
        %dma_start3A_876 = tpu.memref_slice %arg2[%select_n3A, %add3A_872, %dma_start3A_875, %mul3A_874] : memref<4x512x8x1024xf32, #tpu.memory_space<hbm>> -> memref<1x16x8x128xf32, #tpu.memory_space<hbm>>
        %dma_start3A_877 = tpu.memref_squeeze %dma_start3A_876 : memref<1x16x8x128xf32, #tpu.memory_space<hbm>> -> memref<16x8x128xf32, #tpu.memory_space<hbm>>
        %dma_start3A_878 = arith.constant 0 : i32
        %dma_start3A_879 = tpu.memref_slice %arg2[%select_n3A, %add3A_872, %dma_start3A_878, %mul3A_874] : memref<4x512x8x1024xf32, #tpu.memory_space<hbm>> -> memref<1x16x8x128xf32, #tpu.memory_space<hbm>>
        %dma_start3A_880 = tpu.memref_squeeze %dma_start3A_879 : memref<1x16x8x128xf32, #tpu.memory_space<hbm>> -> memref<16x8x128xf32, #tpu.memory_space<hbm>>
        tpu.enqueue_dma source(%dma_start3A_880 : memref<16x8x128xf32, #tpu.memory_space<hbm>>) target(%arg7 : memref<16x8x128xf32, #tpu.memory_space<vmem>>) target_semaphore(%arg13 : memref<!tpu.dma_semaphore, #tpu.memory_space<semaphore_mem>>)
      } else {
      }
      %mul3A_525 = arith.constant 2 : i32
      %mul3A_526 = arith.muli %add3A_248, %mul3A_525 : i32
      %add3A_527 = arith.constant 1 : i32
      %add3A_528 = arith.addi %mul3A_526, %add3A_527 : i32
      %jit3A_529 = arith.constant 8 : i32
      %div3A_530 = arith.divsi %add3A_528, %jit3A_529 : i32
      %sign3A_531 = arith.constant 0 : i32
      %sign3A_532 = arith.cmpi sgt, %add3A_528, %sign3A_531 : i32
      %sign3A_533 = arith.extui %sign3A_532 : i1 to i32
      %sign3A_534 = arith.constant 0 : i32
      %sign3A_535 = arith.cmpi slt, %add3A_528, %sign3A_534 : i32
      %sign3A_536 = arith.extui %sign3A_535 : i1 to i32
      %sign3A_537 = arith.subi %sign3A_533, %sign3A_536 : i32
      %sign3A_538 = arith.constant 0 : i32
      %sign3A_539 = arith.cmpi sgt, %jit3A_529, %sign3A_538 : i32
      %sign3A_540 = arith.extui %sign3A_539 : i1 to i32
      %sign3A_541 = arith.constant 0 : i32
      %sign3A_542 = arith.cmpi slt, %jit3A_529, %sign3A_541 : i32
      %sign3A_543 = arith.extui %sign3A_542 : i1 to i32
      %sign3A_544 = arith.subi %sign3A_540, %sign3A_543 : i32
      %ne3A_545 = arith.cmpi ne, %sign3A_537, %sign3A_544 : i32
      %rem3A_546 = arith.remsi %add3A_528, %jit3A_529 : i32
      %ne3A_547 = arith.constant 0 : i32
      %ne3A_548 = arith.cmpi ne, %rem3A_546, %ne3A_547 : i32
      %and3A_549 = arith.andi %ne3A_545, %ne3A_548 : i1
      %sub3A_550 = arith.constant 1 : i32
      %sub3A_551 = arith.subi %div3A_530, %sub3A_550 : i32
      %select_n3A_552 = arith.select %and3A_549, %sub3A_551, %div3A_530 : i32
      %jit3A_553 = arith.constant 8 : i32
      %eq3A_554 = arith.constant 0 : i32
      %eq3A_555 = arith.cmpi eq, %jit3A_553, %eq3A_554 : i32
      %jit3A_556 = arith.constant 1 : i32
      %select_n3A_557 = arith.select %eq3A_555, %jit3A_556, %jit3A_553 : i32
      %rem3A_558 = arith.remsi %add3A_528, %select_n3A_557 : i32
      %ne3A_559 = arith.constant 0 : i32
      %ne3A_560 = arith.cmpi ne, %rem3A_558, %ne3A_559 : i32
      %lt3A_561 = arith.constant 0 : i32
      %lt3A_562 = arith.cmpi slt, %rem3A_558, %lt3A_561 : i32
      %lt3A_563 = arith.constant 0 : i32
      %lt3A_564 = arith.cmpi slt, %select_n3A_557, %lt3A_563 : i32
      %ne3A_565 = arith.xori %lt3A_562, %lt3A_564 : i1
      %and3A_566 = arith.andi %ne3A_565, %ne3A_560 : i1
      %add3A_567 = arith.addi %rem3A_558, %select_n3A_557 : i32
      %select_n3A_568 = arith.select %and3A_566, %add3A_567, %rem3A_558 : i32
      %mul3A_569 = arith.constant 16 : i32
      %mul3A_570 = arith.muli %select_n3A_568, %mul3A_569 : i32
      %add3A_571 = arith.constant 0 : i32
      %add3A_572 = arith.addi %mul3A_570, %add3A_571 : i32
      %mul3A_573 = arith.constant 128 : i32
      %mul3A_574 = arith.muli %select_n3A_552, %mul3A_573 : i32
      %add3A_575 = arith.addi %mul3A_32, %mul3A_574 : i32
      %dma_wait3A_576 = arith.constant 0 : i32
      %dma_wait3A_577 = tpu.memref_slice %arg3[%select_n3A, %add3A_572, %dma_wait3A_576, %add3A_575] : memref<4x128x8x4096xi32, #tpu.memory_space<hbm>> -> memref<1x8x8x128xi32, #tpu.memory_space<hbm>>
      %dma_wait3A_578 = tpu.memref_squeeze %dma_wait3A_577 : memref<1x8x8x128xi32, #tpu.memory_space<hbm>> -> memref<8x8x128xi32, #tpu.memory_space<hbm>>
      %dma_wait3A_579 = arith.constant 0 : i32
      %dma_wait3A_580 = tpu.memref_slice %arg3[%select_n3A, %add3A_572, %dma_wait3A_579, %add3A_575] : memref<4x128x8x4096xi32, #tpu.memory_space<hbm>> -> memref<1x8x8x128xi32, #tpu.memory_space<hbm>>
      %dma_wait3A_581 = tpu.memref_squeeze %dma_wait3A_580 : memref<1x8x8x128xi32, #tpu.memory_space<hbm>> -> memref<8x8x128xi32, #tpu.memory_space<hbm>>
      tpu.wait_dma2 semaphore(%arg11 : memref<!tpu.dma_semaphore, #tpu.memory_space<semaphore_mem>>) src(%dma_wait3A_581 : memref<8x8x128xi32, #tpu.memory_space<hbm>>) dst(%arg5 : memref<8x8x128xi32, #tpu.memory_space<vmem>>)
      %jit3A_582 = arith.constant 8 : i32
      %div3A_583 = arith.divsi %add3A_528, %jit3A_582 : i32
      %sign3A_584 = arith.constant 0 : i32
      %sign3A_585 = arith.cmpi sgt, %add3A_528, %sign3A_584 : i32
      %sign3A_586 = arith.extui %sign3A_585 : i1 to i32
      %sign3A_587 = arith.constant 0 : i32
      %sign3A_588 = arith.cmpi slt, %add3A_528, %sign3A_587 : i32
      %sign3A_589 = arith.extui %sign3A_588 : i1 to i32
      %sign3A_590 = arith.subi %sign3A_586, %sign3A_589 : i32
      %sign3A_591 = arith.constant 0 : i32
      %sign3A_592 = arith.cmpi sgt, %jit3A_582, %sign3A_591 : i32
      %sign3A_593 = arith.extui %sign3A_592 : i1 to i32
      %sign3A_594 = arith.constant 0 : i32
      %sign3A_595 = arith.cmpi slt, %jit3A_582, %sign3A_594 : i32
      %sign3A_596 = arith.extui %sign3A_595 : i1 to i32
      %sign3A_597 = arith.subi %sign3A_593, %sign3A_596 : i32
      %ne3A_598 = arith.cmpi ne, %sign3A_590, %sign3A_597 : i32
      %rem3A_599 = arith.remsi %add3A_528, %jit3A_582 : i32
      %ne3A_600 = arith.constant 0 : i32
      %ne3A_601 = arith.cmpi ne, %rem3A_599, %ne3A_600 : i32
      %and3A_602 = arith.andi %ne3A_598, %ne3A_601 : i1
      %sub3A_603 = arith.constant 1 : i32
      %sub3A_604 = arith.subi %div3A_583, %sub3A_603 : i32
      %select_n3A_605 = arith.select %and3A_602, %sub3A_604, %div3A_583 : i32
      %jit3A_606 = arith.constant 8 : i32
      %eq3A_607 = arith.constant 0 : i32
      %eq3A_608 = arith.cmpi eq, %jit3A_606, %eq3A_607 : i32
      %jit3A_609 = arith.constant 1 : i32
      %select_n3A_610 = arith.select %eq3A_608, %jit3A_609, %jit3A_606 : i32
      %rem3A_611 = arith.remsi %add3A_528, %select_n3A_610 : i32
      %ne3A_612 = arith.constant 0 : i32
      %ne3A_613 = arith.cmpi ne, %rem3A_611, %ne3A_612 : i32
      %lt3A_614 = arith.constant 0 : i32
      %lt3A_615 = arith.cmpi slt, %rem3A_611, %lt3A_614 : i32
      %lt3A_616 = arith.constant 0 : i32
      %lt3A_617 = arith.cmpi slt, %select_n3A_610, %lt3A_616 : i32
      %ne3A_618 = arith.xori %lt3A_615, %lt3A_617 : i1
      %and3A_619 = arith.andi %ne3A_618, %ne3A_613 : i1
      %add3A_620 = arith.addi %rem3A_611, %select_n3A_610 : i32
      %select_n3A_621 = arith.select %and3A_619, %add3A_620, %rem3A_611 : i32
      %mul3A_622 = arith.constant 16 : i32
      %mul3A_623 = arith.muli %select_n3A_621, %mul3A_622 : i32
      %add3A_624 = arith.constant 8 : i32
      %add3A_625 = arith.addi %mul3A_623, %add3A_624 : i32
      %mul3A_626 = arith.constant 128 : i32
      %mul3A_627 = arith.muli %select_n3A_605, %mul3A_626 : i32
      %add3A_628 = arith.addi %mul3A_32, %mul3A_627 : i32
      %dma_wait3A_629 = arith.constant 0 : i32
      %dma_wait3A_630 = tpu.memref_slice %arg3[%select_n3A, %add3A_625, %dma_wait3A_629, %add3A_628] : memref<4x128x8x4096xi32, #tpu.memory_space<hbm>> -> memref<1x8x8x128xi32, #tpu.memory_space<hbm>>
      %dma_wait3A_631 = tpu.memref_squeeze %dma_wait3A_630 : memref<1x8x8x128xi32, #tpu.memory_space<hbm>> -> memref<8x8x128xi32, #tpu.memory_space<hbm>>
      %dma_wait3A_632 = arith.constant 0 : i32
      %dma_wait3A_633 = tpu.memref_slice %arg3[%select_n3A, %add3A_625, %dma_wait3A_632, %add3A_628] : memref<4x128x8x4096xi32, #tpu.memory_space<hbm>> -> memref<1x8x8x128xi32, #tpu.memory_space<hbm>>
      %dma_wait3A_634 = tpu.memref_squeeze %dma_wait3A_633 : memref<1x8x8x128xi32, #tpu.memory_space<hbm>> -> memref<8x8x128xi32, #tpu.memory_space<hbm>>
      tpu.wait_dma2 semaphore(%arg12 : memref<!tpu.dma_semaphore, #tpu.memory_space<semaphore_mem>>) src(%dma_wait3A_634 : memref<8x8x128xi32, #tpu.memory_space<hbm>>) dst(%arg6 : memref<8x8x128xi32, #tpu.memory_space<vmem>>)
      %jit3A_635 = arith.constant 8 : i32
      %div3A_636 = arith.divsi %add3A_528, %jit3A_635 : i32
      %sign3A_637 = arith.constant 0 : i32
      %sign3A_638 = arith.cmpi sgt, %add3A_528, %sign3A_637 : i32
      %sign3A_639 = arith.extui %sign3A_638 : i1 to i32
      %sign3A_640 = arith.constant 0 : i32
      %sign3A_641 = arith.cmpi slt, %add3A_528, %sign3A_640 : i32
      %sign3A_642 = arith.extui %sign3A_641 : i1 to i32
      %sign3A_643 = arith.subi %sign3A_639, %sign3A_642 : i32
      %sign3A_644 = arith.constant 0 : i32
      %sign3A_645 = arith.cmpi sgt, %jit3A_635, %sign3A_644 : i32
      %sign3A_646 = arith.extui %sign3A_645 : i1 to i32
      %sign3A_647 = arith.constant 0 : i32
      %sign3A_648 = arith.cmpi slt, %jit3A_635, %sign3A_647 : i32
      %sign3A_649 = arith.extui %sign3A_648 : i1 to i32
      %sign3A_650 = arith.subi %sign3A_646, %sign3A_649 : i32
      %ne3A_651 = arith.cmpi ne, %sign3A_643, %sign3A_650 : i32
      %rem3A_652 = arith.remsi %add3A_528, %jit3A_635 : i32
      %ne3A_653 = arith.constant 0 : i32
      %ne3A_654 = arith.cmpi ne, %rem3A_652, %ne3A_653 : i32
      %and3A_655 = arith.andi %ne3A_651, %ne3A_654 : i1
      %sub3A_656 = arith.constant 1 : i32
      %sub3A_657 = arith.subi %div3A_636, %sub3A_656 : i32
      %select_n3A_658 = arith.select %and3A_655, %sub3A_657, %div3A_636 : i32
      %jit3A_659 = arith.constant 8 : i32
      %eq3A_660 = arith.constant 0 : i32
      %eq3A_661 = arith.cmpi eq, %jit3A_659, %eq3A_660 : i32
      %jit3A_662 = arith.constant 1 : i32
      %select_n3A_663 = arith.select %eq3A_661, %jit3A_662, %jit3A_659 : i32
      %rem3A_664 = arith.remsi %add3A_528, %select_n3A_663 : i32
      %ne3A_665 = arith.constant 0 : i32
      %ne3A_666 = arith.cmpi ne, %rem3A_664, %ne3A_665 : i32
      %lt3A_667 = arith.constant 0 : i32
      %lt3A_668 = arith.cmpi slt, %rem3A_664, %lt3A_667 : i32
      %lt3A_669 = arith.constant 0 : i32
      %lt3A_670 = arith.cmpi slt, %select_n3A_663, %lt3A_669 : i32
      %ne3A_671 = arith.xori %lt3A_668, %lt3A_670 : i1
      %and3A_672 = arith.andi %ne3A_671, %ne3A_666 : i1
      %add3A_673 = arith.addi %rem3A_664, %select_n3A_663 : i32
      %select_n3A_674 = arith.select %and3A_672, %add3A_673, %rem3A_664 : i32
      %jit3A_675 = arith.constant 8 : i32
      %div3A_676 = arith.divsi %mul3A_32, %jit3A_675 : i32
      %sign3A_677 = arith.constant 0 : i32
      %sign3A_678 = arith.cmpi sgt, %mul3A_32, %sign3A_677 : i32
      %sign3A_679 = arith.extui %sign3A_678 : i1 to i32
      %sign3A_680 = arith.constant 0 : i32
      %sign3A_681 = arith.cmpi slt, %mul3A_32, %sign3A_680 : i32
      %sign3A_682 = arith.extui %sign3A_681 : i1 to i32
      %sign3A_683 = arith.subi %sign3A_679, %sign3A_682 : i32
      %sign3A_684 = arith.constant 0 : i32
      %sign3A_685 = arith.cmpi sgt, %jit3A_675, %sign3A_684 : i32
      %sign3A_686 = arith.extui %sign3A_685 : i1 to i32
      %sign3A_687 = arith.constant 0 : i32
      %sign3A_688 = arith.cmpi slt, %jit3A_675, %sign3A_687 : i32
      %sign3A_689 = arith.extui %sign3A_688 : i1 to i32
      %sign3A_690 = arith.subi %sign3A_686, %sign3A_689 : i32
      %ne3A_691 = arith.cmpi ne, %sign3A_683, %sign3A_690 : i32
      %rem3A_692 = arith.remsi %mul3A_32, %jit3A_675 : i32
      %ne3A_693 = arith.constant 0 : i32
      %ne3A_694 = arith.cmpi ne, %rem3A_692, %ne3A_693 : i32
      %and3A_695 = arith.andi %ne3A_691, %ne3A_694 : i1
      %sub3A_696 = arith.constant 1 : i32
      %sub3A_697 = arith.subi %div3A_676, %sub3A_696 : i32
      %select_n3A_698 = arith.select %and3A_695, %sub3A_697, %div3A_676 : i32
      %mul3A_699 = arith.constant 16 : i32
      %mul3A_700 = arith.muli %select_n3A_658, %mul3A_699 : i32
      %add3A_701 = arith.addi %select_n3A_698, %mul3A_700 : i32
      %mul3A_702 = arith.constant 128 : i32
      %mul3A_703 = arith.muli %select_n3A_674, %mul3A_702 : i32
      %dma_wait3A_704 = arith.constant 0 : i32
      %dma_wait3A_705 = tpu.memref_slice %arg2[%select_n3A, %add3A_701, %dma_wait3A_704, %mul3A_703] : memref<4x512x8x1024xf32, #tpu.memory_space<hbm>> -> memref<1x16x8x128xf32, #tpu.memory_space<hbm>>
      %dma_wait3A_706 = tpu.memref_squeeze %dma_wait3A_705 : memref<1x16x8x128xf32, #tpu.memory_space<hbm>> -> memref<16x8x128xf32, #tpu.memory_space<hbm>>
      %dma_wait3A_707 = arith.constant 0 : i32
      %dma_wait3A_708 = tpu.memref_slice %arg2[%select_n3A, %add3A_701, %dma_wait3A_707, %mul3A_703] : memref<4x512x8x1024xf32, #tpu.memory_space<hbm>> -> memref<1x16x8x128xf32, #tpu.memory_space<hbm>>
      %dma_wait3A_709 = tpu.memref_squeeze %dma_wait3A_708 : memref<1x16x8x128xf32, #tpu.memory_space<hbm>> -> memref<16x8x128xf32, #tpu.memory_space<hbm>>
      tpu.wait_dma2 semaphore(%arg14 : memref<!tpu.dma_semaphore, #tpu.memory_space<semaphore_mem>>) src(%dma_wait3A_709 : memref<16x8x128xf32, #tpu.memory_space<hbm>>) dst(%arg8 : memref<16x8x128xf32, #tpu.memory_space<vmem>>)
      %ge3A_710 = arith.constant 2 : i32
      %ge3A_711 = arith.cmpi sge, %add3A_528, %ge3A_710 : i32
      %convert_element_type3A_712 = arith.extui %ge3A_711 : i1 to i32
      %cond3A_713 = arith.constant 0 : i32
      %cond3A_714 = arith.cmpi ne, %convert_element_type3A_712, %cond3A_713 : i32
      scf.if %cond3A_714 {
        %sub3A_804 = arith.constant 2 : i32
        %sub3A_805 = arith.subi %add3A_528, %sub3A_804 : i32
        %jit3A_806 = arith.constant 8 : i32
        %div3A_807 = arith.divsi %sub3A_805, %jit3A_806 : i32
        %sign3A_808 = arith.constant 0 : i32
        %sign3A_809 = arith.cmpi sgt, %sub3A_805, %sign3A_808 : i32
        %sign3A_810 = arith.extui %sign3A_809 : i1 to i32
        %sign3A_811 = arith.constant 0 : i32
        %sign3A_812 = arith.cmpi slt, %sub3A_805, %sign3A_811 : i32
        %sign3A_813 = arith.extui %sign3A_812 : i1 to i32
        %sign3A_814 = arith.subi %sign3A_810, %sign3A_813 : i32
        %sign3A_815 = arith.constant 0 : i32
        %sign3A_816 = arith.cmpi sgt, %jit3A_806, %sign3A_815 : i32
        %sign3A_817 = arith.extui %sign3A_816 : i1 to i32
        %sign3A_818 = arith.constant 0 : i32
        %sign3A_819 = arith.cmpi slt, %jit3A_806, %sign3A_818 : i32
        %sign3A_820 = arith.extui %sign3A_819 : i1 to i32
        %sign3A_821 = arith.subi %sign3A_817, %sign3A_820 : i32
        %ne3A_822 = arith.cmpi ne, %sign3A_814, %sign3A_821 : i32
        %rem3A_823 = arith.remsi %sub3A_805, %jit3A_806 : i32
        %ne3A_824 = arith.constant 0 : i32
        %ne3A_825 = arith.cmpi ne, %rem3A_823, %ne3A_824 : i32
        %and3A_826 = arith.andi %ne3A_822, %ne3A_825 : i1
        %sub3A_827 = arith.constant 1 : i32
        %sub3A_828 = arith.subi %div3A_807, %sub3A_827 : i32
        %select_n3A_829 = arith.select %and3A_826, %sub3A_828, %div3A_807 : i32
        %jit3A_830 = arith.constant 8 : i32
        %eq3A_831 = arith.constant 0 : i32
        %eq3A_832 = arith.cmpi eq, %jit3A_830, %eq3A_831 : i32
        %jit3A_833 = arith.constant 1 : i32
        %select_n3A_834 = arith.select %eq3A_832, %jit3A_833, %jit3A_830 : i32
        %rem3A_835 = arith.remsi %sub3A_805, %select_n3A_834 : i32
        %ne3A_836 = arith.constant 0 : i32
        %ne3A_837 = arith.cmpi ne, %rem3A_835, %ne3A_836 : i32
        %lt3A_838 = arith.constant 0 : i32
        %lt3A_839 = arith.cmpi slt, %rem3A_835, %lt3A_838 : i32
        %lt3A_840 = arith.constant 0 : i32
        %lt3A_841 = arith.cmpi slt, %select_n3A_834, %lt3A_840 : i32
        %ne3A_842 = arith.xori %lt3A_839, %lt3A_841 : i1
        %and3A_843 = arith.andi %ne3A_842, %ne3A_837 : i1
        %add3A_844 = arith.addi %rem3A_835, %select_n3A_834 : i32
        %select_n3A_845 = arith.select %and3A_843, %add3A_844, %rem3A_835 : i32
        %jit3A_846 = arith.constant 4 : i32
        %div3A_847 = arith.divsi %mul3A_32, %jit3A_846 : i32
        %sign3A_848 = arith.constant 0 : i32
        %sign3A_849 = arith.cmpi sgt, %mul3A_32, %sign3A_848 : i32
        %sign3A_850 = arith.extui %sign3A_849 : i1 to i32
        %sign3A_851 = arith.constant 0 : i32
        %sign3A_852 = arith.cmpi slt, %mul3A_32, %sign3A_851 : i32
        %sign3A_853 = arith.extui %sign3A_852 : i1 to i32
        %sign3A_854 = arith.subi %sign3A_850, %sign3A_853 : i32
        %sign3A_855 = arith.constant 0 : i32
        %sign3A_856 = arith.cmpi sgt, %jit3A_846, %sign3A_855 : i32
        %sign3A_857 = arith.extui %sign3A_856 : i1 to i32
        %sign3A_858 = arith.constant 0 : i32
        %sign3A_859 = arith.cmpi slt, %jit3A_846, %sign3A_858 : i32
        %sign3A_860 = arith.extui %sign3A_859 : i1 to i32
        %sign3A_861 = arith.subi %sign3A_857, %sign3A_860 : i32
        %ne3A_862 = arith.cmpi ne, %sign3A_854, %sign3A_861 : i32
        %rem3A_863 = arith.remsi %mul3A_32, %jit3A_846 : i32
        %ne3A_864 = arith.constant 0 : i32
        %ne3A_865 = arith.cmpi ne, %rem3A_863, %ne3A_864 : i32
        %and3A_866 = arith.andi %ne3A_862, %ne3A_865 : i1
        %sub3A_867 = arith.constant 1 : i32
        %sub3A_868 = arith.subi %div3A_847, %sub3A_867 : i32
        %select_n3A_869 = arith.select %and3A_866, %sub3A_868, %div3A_847 : i32
        %mul3A_870 = arith.constant 32 : i32
        %mul3A_871 = arith.muli %select_n3A_829, %mul3A_870 : i32
        %add3A_872 = arith.addi %select_n3A_869, %mul3A_871 : i32
        %mul3A_873 = arith.constant 128 : i32
        %mul3A_874 = arith.muli %select_n3A_845, %mul3A_873 : i32
        %dma_wait3A_875 = arith.constant 0 : i32
        %dma_wait3A_876 = tpu.memref_slice %arg4[%select_n3A, %add3A_872, %dma_wait3A_875, %mul3A_874] : memref<4x1024x8x1024xf32, #tpu.memory_space<hbm>> -> memref<1x32x8x128xf32, #tpu.memory_space<hbm>>
        %dma_wait3A_877 = tpu.memref_squeeze %dma_wait3A_876 : memref<1x32x8x128xf32, #tpu.memory_space<hbm>> -> memref<32x8x128xf32, #tpu.memory_space<hbm>>
        %dma_wait3A_878 = arith.constant 0 : i32
        %dma_wait3A_879 = tpu.memref_slice %arg4[%select_n3A, %add3A_872, %dma_wait3A_878, %mul3A_874] : memref<4x1024x8x1024xf32, #tpu.memory_space<hbm>> -> memref<1x32x8x128xf32, #tpu.memory_space<hbm>>
        %dma_wait3A_880 = tpu.memref_squeeze %dma_wait3A_879 : memref<1x32x8x128xf32, #tpu.memory_space<hbm>> -> memref<32x8x128xf32, #tpu.memory_space<hbm>>
        tpu.wait_dma2 semaphore(%arg16 : memref<!tpu.dma_semaphore, #tpu.memory_space<semaphore_mem>>) src(%arg10 : memref<32x8x128xf32, #tpu.memory_space<vmem>>) dst(%dma_wait3A_880 : memref<32x8x128xf32, #tpu.memory_space<hbm>>)
      } else {
      }
      %jit3A_715 = arith.constant 8 : i32
      %div3A_716 = arith.divsi %add3A_528, %jit3A_715 : i32
      %sign3A_717 = arith.constant 0 : i32
      %sign3A_718 = arith.cmpi sgt, %add3A_528, %sign3A_717 : i32
      %sign3A_719 = arith.extui %sign3A_718 : i1 to i32
      %sign3A_720 = arith.constant 0 : i32
      %sign3A_721 = arith.cmpi slt, %add3A_528, %sign3A_720 : i32
      %sign3A_722 = arith.extui %sign3A_721 : i1 to i32
      %sign3A_723 = arith.subi %sign3A_719, %sign3A_722 : i32
      %sign3A_724 = arith.constant 0 : i32
      %sign3A_725 = arith.cmpi sgt, %jit3A_715, %sign3A_724 : i32
      %sign3A_726 = arith.extui %sign3A_725 : i1 to i32
      %sign3A_727 = arith.constant 0 : i32
      %sign3A_728 = arith.cmpi slt, %jit3A_715, %sign3A_727 : i32
      %sign3A_729 = arith.extui %sign3A_728 : i1 to i32
      %sign3A_730 = arith.subi %sign3A_726, %sign3A_729 : i32
      %ne3A_731 = arith.cmpi ne, %sign3A_723, %sign3A_730 : i32
      %rem3A_732 = arith.remsi %add3A_528, %jit3A_715 : i32
      %ne3A_733 = arith.constant 0 : i32
      %ne3A_734 = arith.cmpi ne, %rem3A_732, %ne3A_733 : i32
      %and3A_735 = arith.andi %ne3A_731, %ne3A_734 : i1
      %sub3A_736 = arith.constant 1 : i32
      %sub3A_737 = arith.subi %div3A_716, %sub3A_736 : i32
      %select_n3A_738 = arith.select %and3A_735, %sub3A_737, %div3A_716 : i32
      %jit3A_739 = arith.constant 8 : i32
      %eq3A_740 = arith.constant 0 : i32
      %eq3A_741 = arith.cmpi eq, %jit3A_739, %eq3A_740 : i32
      %jit3A_742 = arith.constant 1 : i32
      %select_n3A_743 = arith.select %eq3A_741, %jit3A_742, %jit3A_739 : i32
      %rem3A_744 = arith.remsi %add3A_528, %select_n3A_743 : i32
      %ne3A_745 = arith.constant 0 : i32
      %ne3A_746 = arith.cmpi ne, %rem3A_744, %ne3A_745 : i32
      %lt3A_747 = arith.constant 0 : i32
      %lt3A_748 = arith.cmpi slt, %rem3A_744, %lt3A_747 : i32
      %lt3A_749 = arith.constant 0 : i32
      %lt3A_750 = arith.cmpi slt, %select_n3A_743, %lt3A_749 : i32
      %ne3A_751 = arith.xori %lt3A_748, %lt3A_750 : i1
      %and3A_752 = arith.andi %ne3A_751, %ne3A_746 : i1
      %add3A_753 = arith.addi %rem3A_744, %select_n3A_743 : i32
      %select_n3A_754 = arith.select %and3A_752, %add3A_753, %rem3A_744 : i32
      %jit3A_755 = arith.constant 4 : i32
      %div3A_756 = arith.divsi %mul3A_32, %jit3A_755 : i32
      %sign3A_757 = arith.constant 0 : i32
      %sign3A_758 = arith.cmpi sgt, %mul3A_32, %sign3A_757 : i32
      %sign3A_759 = arith.extui %sign3A_758 : i1 to i32
      %sign3A_760 = arith.constant 0 : i32
      %sign3A_761 = arith.cmpi slt, %mul3A_32, %sign3A_760 : i32
      %sign3A_762 = arith.extui %sign3A_761 : i1 to i32
      %sign3A_763 = arith.subi %sign3A_759, %sign3A_762 : i32
      %sign3A_764 = arith.constant 0 : i32
      %sign3A_765 = arith.cmpi sgt, %jit3A_755, %sign3A_764 : i32
      %sign3A_766 = arith.extui %sign3A_765 : i1 to i32
      %sign3A_767 = arith.constant 0 : i32
      %sign3A_768 = arith.cmpi slt, %jit3A_755, %sign3A_767 : i32
      %sign3A_769 = arith.extui %sign3A_768 : i1 to i32
      %sign3A_770 = arith.subi %sign3A_766, %sign3A_769 : i32
      %ne3A_771 = arith.cmpi ne, %sign3A_763, %sign3A_770 : i32
      %rem3A_772 = arith.remsi %mul3A_32, %jit3A_755 : i32
      %ne3A_773 = arith.constant 0 : i32
      %ne3A_774 = arith.cmpi ne, %rem3A_772, %ne3A_773 : i32
      %and3A_775 = arith.andi %ne3A_771, %ne3A_774 : i1
      %sub3A_776 = arith.constant 1 : i32
      %sub3A_777 = arith.subi %div3A_756, %sub3A_776 : i32
      %select_n3A_778 = arith.select %and3A_775, %sub3A_777, %div3A_756 : i32
      %mul3A_779 = arith.constant 32 : i32
      %mul3A_780 = arith.muli %select_n3A_738, %mul3A_779 : i32
      %add3A_781 = arith.addi %select_n3A_778, %mul3A_780 : i32
      %mul3A_782 = arith.constant 128 : i32
      %mul3A_783 = arith.muli %select_n3A_754, %mul3A_782 : i32
      %dma_start3A_784 = arith.constant 0 : i32
      %dma_start3A_785 = tpu.memref_slice %arg4[%select_n3A, %add3A_781, %dma_start3A_784, %mul3A_783] : memref<4x1024x8x1024xf32, #tpu.memory_space<hbm>> -> memref<1x32x8x128xf32, #tpu.memory_space<hbm>>
      %dma_start3A_786 = tpu.memref_squeeze %dma_start3A_785 : memref<1x32x8x128xf32, #tpu.memory_space<hbm>> -> memref<32x8x128xf32, #tpu.memory_space<hbm>>
      %dma_start3A_787 = arith.constant 0 : i32
      %dma_start3A_788 = tpu.memref_slice %arg4[%select_n3A, %add3A_781, %dma_start3A_787, %mul3A_783] : memref<4x1024x8x1024xf32, #tpu.memory_space<hbm>> -> memref<1x32x8x128xf32, #tpu.memory_space<hbm>>
      %dma_start3A_789 = tpu.memref_squeeze %dma_start3A_788 : memref<1x32x8x128xf32, #tpu.memory_space<hbm>> -> memref<32x8x128xf32, #tpu.memory_space<hbm>>
      tpu.enqueue_dma source(%arg10 : memref<32x8x128xf32, #tpu.memory_space<vmem>>) target(%dma_start3A_789 : memref<32x8x128xf32, #tpu.memory_space<hbm>>) target_semaphore(%arg16 : memref<!tpu.dma_semaphore, #tpu.memory_space<semaphore_mem>>)
      %add3A_790 = arith.constant 1 : i32
      %add3A_791 = arith.addi %add3A_528, %add3A_790 : i32
      %lt3A_792 = arith.constant 32 : i32
      %lt3A_793 = arith.cmpi slt, %add3A_791, %lt3A_792 : i32
      %convert_element_type3A_794 = arith.extui %lt3A_793 : i1 to i32
      %cond3A_795 = arith.constant 0 : i32
      %cond3A_796 = arith.cmpi ne, %convert_element_type3A_794, %cond3A_795 : i32
      scf.if %cond3A_796 {
        %add3A_804 = arith.constant 1 : i32
        %add3A_805 = arith.addi %add3A_528, %add3A_804 : i32
        %jit3A_806 = arith.constant 8 : i32
        %div3A_807 = arith.divsi %add3A_805, %jit3A_806 : i32
        %sign3A_808 = arith.constant 0 : i32
        %sign3A_809 = arith.cmpi sgt, %add3A_805, %sign3A_808 : i32
        %sign3A_810 = arith.extui %sign3A_809 : i1 to i32
        %sign3A_811 = arith.constant 0 : i32
        %sign3A_812 = arith.cmpi slt, %add3A_805, %sign3A_811 : i32
        %sign3A_813 = arith.extui %sign3A_812 : i1 to i32
        %sign3A_814 = arith.subi %sign3A_810, %sign3A_813 : i32
        %sign3A_815 = arith.constant 0 : i32
        %sign3A_816 = arith.cmpi sgt, %jit3A_806, %sign3A_815 : i32
        %sign3A_817 = arith.extui %sign3A_816 : i1 to i32
        %sign3A_818 = arith.constant 0 : i32
        %sign3A_819 = arith.cmpi slt, %jit3A_806, %sign3A_818 : i32
        %sign3A_820 = arith.extui %sign3A_819 : i1 to i32
        %sign3A_821 = arith.subi %sign3A_817, %sign3A_820 : i32
        %ne3A_822 = arith.cmpi ne, %sign3A_814, %sign3A_821 : i32
        %rem3A_823 = arith.remsi %add3A_805, %jit3A_806 : i32
        %ne3A_824 = arith.constant 0 : i32
        %ne3A_825 = arith.cmpi ne, %rem3A_823, %ne3A_824 : i32
        %and3A_826 = arith.andi %ne3A_822, %ne3A_825 : i1
        %sub3A_827 = arith.constant 1 : i32
        %sub3A_828 = arith.subi %div3A_807, %sub3A_827 : i32
        %select_n3A_829 = arith.select %and3A_826, %sub3A_828, %div3A_807 : i32
        %jit3A_830 = arith.constant 8 : i32
        %eq3A_831 = arith.constant 0 : i32
        %eq3A_832 = arith.cmpi eq, %jit3A_830, %eq3A_831 : i32
        %jit3A_833 = arith.constant 1 : i32
        %select_n3A_834 = arith.select %eq3A_832, %jit3A_833, %jit3A_830 : i32
        %rem3A_835 = arith.remsi %add3A_805, %select_n3A_834 : i32
        %ne3A_836 = arith.constant 0 : i32
        %ne3A_837 = arith.cmpi ne, %rem3A_835, %ne3A_836 : i32
        %lt3A_838 = arith.constant 0 : i32
        %lt3A_839 = arith.cmpi slt, %rem3A_835, %lt3A_838 : i32
        %lt3A_840 = arith.constant 0 : i32
        %lt3A_841 = arith.cmpi slt, %select_n3A_834, %lt3A_840 : i32
        %ne3A_842 = arith.xori %lt3A_839, %lt3A_841 : i1
        %and3A_843 = arith.andi %ne3A_842, %ne3A_837 : i1
        %add3A_844 = arith.addi %rem3A_835, %select_n3A_834 : i32
        %select_n3A_845 = arith.select %and3A_843, %add3A_844, %rem3A_835 : i32
        %mul3A_846 = arith.constant 16 : i32
        %mul3A_847 = arith.muli %select_n3A_845, %mul3A_846 : i32
        %add3A_848 = arith.constant 0 : i32
        %add3A_849 = arith.addi %mul3A_847, %add3A_848 : i32
        %mul3A_850 = arith.constant 128 : i32
        %mul3A_851 = arith.muli %select_n3A_829, %mul3A_850 : i32
        %add3A_852 = arith.addi %mul3A_32, %mul3A_851 : i32
        %dma_start3A_853 = arith.constant 0 : i32
        %dma_start3A_854 = tpu.memref_slice %arg3[%select_n3A, %add3A_849, %dma_start3A_853, %add3A_852] : memref<4x128x8x4096xi32, #tpu.memory_space<hbm>> -> memref<1x8x8x128xi32, #tpu.memory_space<hbm>>
        %dma_start3A_855 = tpu.memref_squeeze %dma_start3A_854 : memref<1x8x8x128xi32, #tpu.memory_space<hbm>> -> memref<8x8x128xi32, #tpu.memory_space<hbm>>
        %dma_start3A_856 = arith.constant 0 : i32
        %dma_start3A_857 = tpu.memref_slice %arg3[%select_n3A, %add3A_849, %dma_start3A_856, %add3A_852] : memref<4x128x8x4096xi32, #tpu.memory_space<hbm>> -> memref<1x8x8x128xi32, #tpu.memory_space<hbm>>
        %dma_start3A_858 = tpu.memref_squeeze %dma_start3A_857 : memref<1x8x8x128xi32, #tpu.memory_space<hbm>> -> memref<8x8x128xi32, #tpu.memory_space<hbm>>
        tpu.enqueue_dma source(%dma_start3A_858 : memref<8x8x128xi32, #tpu.memory_space<hbm>>) target(%arg5 : memref<8x8x128xi32, #tpu.memory_space<vmem>>) target_semaphore(%arg11 : memref<!tpu.dma_semaphore, #tpu.memory_space<semaphore_mem>>)
        %add3A_859 = arith.constant 1 : i32
        %add3A_860 = arith.addi %add3A_528, %add3A_859 : i32
        %jit3A_861 = arith.constant 8 : i32
        %div3A_862 = arith.divsi %add3A_860, %jit3A_861 : i32
        %sign3A_863 = arith.constant 0 : i32
        %sign3A_864 = arith.cmpi sgt, %add3A_860, %sign3A_863 : i32
        %sign3A_865 = arith.extui %sign3A_864 : i1 to i32
        %sign3A_866 = arith.constant 0 : i32
        %sign3A_867 = arith.cmpi slt, %add3A_860, %sign3A_866 : i32
        %sign3A_868 = arith.extui %sign3A_867 : i1 to i32
        %sign3A_869 = arith.subi %sign3A_865, %sign3A_868 : i32
        %sign3A_870 = arith.constant 0 : i32
        %sign3A_871 = arith.cmpi sgt, %jit3A_861, %sign3A_870 : i32
        %sign3A_872 = arith.extui %sign3A_871 : i1 to i32
        %sign3A_873 = arith.constant 0 : i32
        %sign3A_874 = arith.cmpi slt, %jit3A_861, %sign3A_873 : i32
        %sign3A_875 = arith.extui %sign3A_874 : i1 to i32
        %sign3A_876 = arith.subi %sign3A_872, %sign3A_875 : i32
        %ne3A_877 = arith.cmpi ne, %sign3A_869, %sign3A_876 : i32
        %rem3A_878 = arith.remsi %add3A_860, %jit3A_861 : i32
        %ne3A_879 = arith.constant 0 : i32
        %ne3A_880 = arith.cmpi ne, %rem3A_878, %ne3A_879 : i32
        %and3A_881 = arith.andi %ne3A_877, %ne3A_880 : i1
        %sub3A_882 = arith.constant 1 : i32
        %sub3A_883 = arith.subi %div3A_862, %sub3A_882 : i32
        %select_n3A_884 = arith.select %and3A_881, %sub3A_883, %div3A_862 : i32
        %jit3A_885 = arith.constant 8 : i32
        %eq3A_886 = arith.constant 0 : i32
        %eq3A_887 = arith.cmpi eq, %jit3A_885, %eq3A_886 : i32
        %jit3A_888 = arith.constant 1 : i32
        %select_n3A_889 = arith.select %eq3A_887, %jit3A_888, %jit3A_885 : i32
        %rem3A_890 = arith.remsi %add3A_860, %select_n3A_889 : i32
        %ne3A_891 = arith.constant 0 : i32
        %ne3A_892 = arith.cmpi ne, %rem3A_890, %ne3A_891 : i32
        %lt3A_893 = arith.constant 0 : i32
        %lt3A_894 = arith.cmpi slt, %rem3A_890, %lt3A_893 : i32
        %lt3A_895 = arith.constant 0 : i32
        %lt3A_896 = arith.cmpi slt, %select_n3A_889, %lt3A_895 : i32
        %ne3A_897 = arith.xori %lt3A_894, %lt3A_896 : i1
        %and3A_898 = arith.andi %ne3A_897, %ne3A_892 : i1
        %add3A_899 = arith.addi %rem3A_890, %select_n3A_889 : i32
        %select_n3A_900 = arith.select %and3A_898, %add3A_899, %rem3A_890 : i32
        %mul3A_901 = arith.constant 16 : i32
        %mul3A_902 = arith.muli %select_n3A_900, %mul3A_901 : i32
        %add3A_903 = arith.constant 8 : i32
        %add3A_904 = arith.addi %mul3A_902, %add3A_903 : i32
        %mul3A_905 = arith.constant 128 : i32
        %mul3A_906 = arith.muli %select_n3A_884, %mul3A_905 : i32
        %add3A_907 = arith.addi %mul3A_32, %mul3A_906 : i32
        %dma_start3A_908 = arith.constant 0 : i32
        %dma_start3A_909 = tpu.memref_slice %arg3[%select_n3A, %add3A_904, %dma_start3A_908, %add3A_907] : memref<4x128x8x4096xi32, #tpu.memory_space<hbm>> -> memref<1x8x8x128xi32, #tpu.memory_space<hbm>>
        %dma_start3A_910 = tpu.memref_squeeze %dma_start3A_909 : memref<1x8x8x128xi32, #tpu.memory_space<hbm>> -> memref<8x8x128xi32, #tpu.memory_space<hbm>>
        %dma_start3A_911 = arith.constant 0 : i32
        %dma_start3A_912 = tpu.memref_slice %arg3[%select_n3A, %add3A_904, %dma_start3A_911, %add3A_907] : memref<4x128x8x4096xi32, #tpu.memory_space<hbm>> -> memref<1x8x8x128xi32, #tpu.memory_space<hbm>>
        %dma_start3A_913 = tpu.memref_squeeze %dma_start3A_912 : memref<1x8x8x128xi32, #tpu.memory_space<hbm>> -> memref<8x8x128xi32, #tpu.memory_space<hbm>>
        tpu.enqueue_dma source(%dma_start3A_913 : memref<8x8x128xi32, #tpu.memory_space<hbm>>) target(%arg6 : memref<8x8x128xi32, #tpu.memory_space<vmem>>) target_semaphore(%arg12 : memref<!tpu.dma_semaphore, #tpu.memory_space<semaphore_mem>>)
      } else {
      }
      %add3A_797 = arith.constant 2 : i32
      %add3A_798 = arith.addi %add3A_528, %add3A_797 : i32
      %lt3A_799 = arith.constant 32 : i32
      %lt3A_800 = arith.cmpi slt, %add3A_798, %lt3A_799 : i32
      %convert_element_type3A_801 = arith.extui %lt3A_800 : i1 to i32
      %cond3A_802 = arith.constant 0 : i32
      %cond3A_803 = arith.cmpi ne, %convert_element_type3A_801, %cond3A_802 : i32
      scf.if %cond3A_803 {
        %add3A_804 = arith.constant 2 : i32
        %add3A_805 = arith.addi %add3A_528, %add3A_804 : i32
        %jit3A_806 = arith.constant 8 : i32
        %div3A_807 = arith.divsi %add3A_805, %jit3A_806 : i32
        %sign3A_808 = arith.constant 0 : i32
        %sign3A_809 = arith.cmpi sgt, %add3A_805, %sign3A_808 : i32
        %sign3A_810 = arith.extui %sign3A_809 : i1 to i32
        %sign3A_811 = arith.constant 0 : i32
        %sign3A_812 = arith.cmpi slt, %add3A_805, %sign3A_811 : i32
        %sign3A_813 = arith.extui %sign3A_812 : i1 to i32
        %sign3A_814 = arith.subi %sign3A_810, %sign3A_813 : i32
        %sign3A_815 = arith.constant 0 : i32
        %sign3A_816 = arith.cmpi sgt, %jit3A_806, %sign3A_815 : i32
        %sign3A_817 = arith.extui %sign3A_816 : i1 to i32
        %sign3A_818 = arith.constant 0 : i32
        %sign3A_819 = arith.cmpi slt, %jit3A_806, %sign3A_818 : i32
        %sign3A_820 = arith.extui %sign3A_819 : i1 to i32
        %sign3A_821 = arith.subi %sign3A_817, %sign3A_820 : i32
        %ne3A_822 = arith.cmpi ne, %sign3A_814, %sign3A_821 : i32
        %rem3A_823 = arith.remsi %add3A_805, %jit3A_806 : i32
        %ne3A_824 = arith.constant 0 : i32
        %ne3A_825 = arith.cmpi ne, %rem3A_823, %ne3A_824 : i32
        %and3A_826 = arith.andi %ne3A_822, %ne3A_825 : i1
        %sub3A_827 = arith.constant 1 : i32
        %sub3A_828 = arith.subi %div3A_807, %sub3A_827 : i32
        %select_n3A_829 = arith.select %and3A_826, %sub3A_828, %div3A_807 : i32
        %jit3A_830 = arith.constant 8 : i32
        %eq3A_831 = arith.constant 0 : i32
        %eq3A_832 = arith.cmpi eq, %jit3A_830, %eq3A_831 : i32
        %jit3A_833 = arith.constant 1 : i32
        %select_n3A_834 = arith.select %eq3A_832, %jit3A_833, %jit3A_830 : i32
        %rem3A_835 = arith.remsi %add3A_805, %select_n3A_834 : i32
        %ne3A_836 = arith.constant 0 : i32
        %ne3A_837 = arith.cmpi ne, %rem3A_835, %ne3A_836 : i32
        %lt3A_838 = arith.constant 0 : i32
        %lt3A_839 = arith.cmpi slt, %rem3A_835, %lt3A_838 : i32
        %lt3A_840 = arith.constant 0 : i32
        %lt3A_841 = arith.cmpi slt, %select_n3A_834, %lt3A_840 : i32
        %ne3A_842 = arith.xori %lt3A_839, %lt3A_841 : i1
        %and3A_843 = arith.andi %ne3A_842, %ne3A_837 : i1
        %add3A_844 = arith.addi %rem3A_835, %select_n3A_834 : i32
        %select_n3A_845 = arith.select %and3A_843, %add3A_844, %rem3A_835 : i32
        %jit3A_846 = arith.constant 8 : i32
        %div3A_847 = arith.divsi %mul3A_32, %jit3A_846 : i32
        %sign3A_848 = arith.constant 0 : i32
        %sign3A_849 = arith.cmpi sgt, %mul3A_32, %sign3A_848 : i32
        %sign3A_850 = arith.extui %sign3A_849 : i1 to i32
        %sign3A_851 = arith.constant 0 : i32
        %sign3A_852 = arith.cmpi slt, %mul3A_32, %sign3A_851 : i32
        %sign3A_853 = arith.extui %sign3A_852 : i1 to i32
        %sign3A_854 = arith.subi %sign3A_850, %sign3A_853 : i32
        %sign3A_855 = arith.constant 0 : i32
        %sign3A_856 = arith.cmpi sgt, %jit3A_846, %sign3A_855 : i32
        %sign3A_857 = arith.extui %sign3A_856 : i1 to i32
        %sign3A_858 = arith.constant 0 : i32
        %sign3A_859 = arith.cmpi slt, %jit3A_846, %sign3A_858 : i32
        %sign3A_860 = arith.extui %sign3A_859 : i1 to i32
        %sign3A_861 = arith.subi %sign3A_857, %sign3A_860 : i32
        %ne3A_862 = arith.cmpi ne, %sign3A_854, %sign3A_861 : i32
        %rem3A_863 = arith.remsi %mul3A_32, %jit3A_846 : i32
        %ne3A_864 = arith.constant 0 : i32
        %ne3A_865 = arith.cmpi ne, %rem3A_863, %ne3A_864 : i32
        %and3A_866 = arith.andi %ne3A_862, %ne3A_865 : i1
        %sub3A_867 = arith.constant 1 : i32
        %sub3A_868 = arith.subi %div3A_847, %sub3A_867 : i32
        %select_n3A_869 = arith.select %and3A_866, %sub3A_868, %div3A_847 : i32
        %mul3A_870 = arith.constant 16 : i32
        %mul3A_871 = arith.muli %select_n3A_829, %mul3A_870 : i32
        %add3A_872 = arith.addi %select_n3A_869, %mul3A_871 : i32
        %mul3A_873 = arith.constant 128 : i32
        %mul3A_874 = arith.muli %select_n3A_845, %mul3A_873 : i32
        %dma_start3A_875 = arith.constant 0 : i32
        %dma_start3A_876 = tpu.memref_slice %arg2[%select_n3A, %add3A_872, %dma_start3A_875, %mul3A_874] : memref<4x512x8x1024xf32, #tpu.memory_space<hbm>> -> memref<1x16x8x128xf32, #tpu.memory_space<hbm>>
        %dma_start3A_877 = tpu.memref_squeeze %dma_start3A_876 : memref<1x16x8x128xf32, #tpu.memory_space<hbm>> -> memref<16x8x128xf32, #tpu.memory_space<hbm>>
        %dma_start3A_878 = arith.constant 0 : i32
        %dma_start3A_879 = tpu.memref_slice %arg2[%select_n3A, %add3A_872, %dma_start3A_878, %mul3A_874] : memref<4x512x8x1024xf32, #tpu.memory_space<hbm>> -> memref<1x16x8x128xf32, #tpu.memory_space<hbm>>
        %dma_start3A_880 = tpu.memref_squeeze %dma_start3A_879 : memref<1x16x8x128xf32, #tpu.memory_space<hbm>> -> memref<16x8x128xf32, #tpu.memory_space<hbm>>
        tpu.enqueue_dma source(%dma_start3A_880 : memref<16x8x128xf32, #tpu.memory_space<hbm>>) target(%arg8 : memref<16x8x128xf32, #tpu.memory_space<vmem>>) target_semaphore(%arg14 : memref<!tpu.dma_semaphore, #tpu.memory_space<semaphore_mem>>)
      } else {
      }
    }
    %scan3A_176 = arith.constant 16 : i32
    %jit3A_177 = arith.constant 4 : i32
    %div3A_178 = arith.divsi %mul3A_32, %jit3A_177 : i32
    %sign3A_179 = arith.constant 0 : i32
    %sign3A_180 = arith.cmpi sgt, %mul3A_32, %sign3A_179 : i32
    %sign3A_181 = arith.extui %sign3A_180 : i1 to i32
    %sign3A_182 = arith.constant 0 : i32
    %sign3A_183 = arith.cmpi slt, %mul3A_32, %sign3A_182 : i32
    %sign3A_184 = arith.extui %sign3A_183 : i1 to i32
    %sign3A_185 = arith.subi %sign3A_181, %sign3A_184 : i32
    %sign3A_186 = arith.constant 0 : i32
    %sign3A_187 = arith.cmpi sgt, %jit3A_177, %sign3A_186 : i32
    %sign3A_188 = arith.extui %sign3A_187 : i1 to i32
    %sign3A_189 = arith.constant 0 : i32
    %sign3A_190 = arith.cmpi slt, %jit3A_177, %sign3A_189 : i32
    %sign3A_191 = arith.extui %sign3A_190 : i1 to i32
    %sign3A_192 = arith.subi %sign3A_188, %sign3A_191 : i32
    %ne3A_193 = arith.cmpi ne, %sign3A_185, %sign3A_192 : i32
    %rem3A_194 = arith.remsi %mul3A_32, %jit3A_177 : i32
    %ne3A_195 = arith.constant 0 : i32
    %ne3A_196 = arith.cmpi ne, %rem3A_194, %ne3A_195 : i32
    %and3A_197 = arith.andi %ne3A_193, %ne3A_196 : i1
    %sub3A_198 = arith.constant 1 : i32
    %sub3A_199 = arith.subi %div3A_178, %sub3A_198 : i32
    %select_n3A_200 = arith.select %and3A_197, %sub3A_199, %div3A_178 : i32
    %add3A_201 = arith.constant 96 : i32
    %add3A_202 = arith.addi %select_n3A_200, %add3A_201 : i32
    %dma_wait3A = arith.constant 0 : i32
    %dma_wait3A_203 = arith.constant 768 : i32
    %dma_wait3A_204 = tpu.memref_slice %arg4[%select_n3A, %add3A_202, %dma_wait3A, %dma_wait3A_203] : memref<4x1024x8x1024xf32, #tpu.memory_space<hbm>> -> memref<1x32x8x128xf32, #tpu.memory_space<hbm>>
    %dma_wait3A_205 = tpu.memref_squeeze %dma_wait3A_204 : memref<1x32x8x128xf32, #tpu.memory_space<hbm>> -> memref<32x8x128xf32, #tpu.memory_space<hbm>>
    %dma_wait3A_206 = arith.constant 0 : i32
    %dma_wait3A_207 = arith.constant 768 : i32
    %dma_wait3A_208 = tpu.memref_slice %arg4[%select_n3A, %add3A_202, %dma_wait3A_206, %dma_wait3A_207] : memref<4x1024x8x1024xf32, #tpu.memory_space<hbm>> -> memref<1x32x8x128xf32, #tpu.memory_space<hbm>>
    %dma_wait3A_209 = tpu.memref_squeeze %dma_wait3A_208 : memref<1x32x8x128xf32, #tpu.memory_space<hbm>> -> memref<32x8x128xf32, #tpu.memory_space<hbm>>
    tpu.wait_dma2 semaphore(%arg15 : memref<!tpu.dma_semaphore, #tpu.memory_space<semaphore_mem>>) src(%arg9 : memref<32x8x128xf32, #tpu.memory_space<vmem>>) dst(%dma_wait3A_209 : memref<32x8x128xf32, #tpu.memory_space<hbm>>)
    %jit3A_210 = arith.constant 4 : i32
    %div3A_211 = arith.divsi %mul3A_32, %jit3A_210 : i32
    %sign3A_212 = arith.constant 0 : i32
    %sign3A_213 = arith.cmpi sgt, %mul3A_32, %sign3A_212 : i32
    %sign3A_214 = arith.extui %sign3A_213 : i1 to i32
    %sign3A_215 = arith.constant 0 : i32
    %sign3A_216 = arith.cmpi slt, %mul3A_32, %sign3A_215 : i32
    %sign3A_217 = arith.extui %sign3A_216 : i1 to i32
    %sign3A_218 = arith.subi %sign3A_214, %sign3A_217 : i32
    %sign3A_219 = arith.constant 0 : i32
    %sign3A_220 = arith.cmpi sgt, %jit3A_210, %sign3A_219 : i32
    %sign3A_221 = arith.extui %sign3A_220 : i1 to i32
    %sign3A_222 = arith.constant 0 : i32
    %sign3A_223 = arith.cmpi slt, %jit3A_210, %sign3A_222 : i32
    %sign3A_224 = arith.extui %sign3A_223 : i1 to i32
    %sign3A_225 = arith.subi %sign3A_221, %sign3A_224 : i32
    %ne3A_226 = arith.cmpi ne, %sign3A_218, %sign3A_225 : i32
    %rem3A_227 = arith.remsi %mul3A_32, %jit3A_210 : i32
    %ne3A_228 = arith.constant 0 : i32
    %ne3A_229 = arith.cmpi ne, %rem3A_227, %ne3A_228 : i32
    %and3A_230 = arith.andi %ne3A_226, %ne3A_229 : i1
    %sub3A_231 = arith.constant 1 : i32
    %sub3A_232 = arith.subi %div3A_211, %sub3A_231 : i32
    %select_n3A_233 = arith.select %and3A_230, %sub3A_232, %div3A_211 : i32
    %add3A_234 = arith.constant 96 : i32
    %add3A_235 = arith.addi %select_n3A_233, %add3A_234 : i32
    %dma_wait3A_236 = arith.constant 0 : i32
    %dma_wait3A_237 = arith.constant 896 : i32
    %dma_wait3A_238 = tpu.memref_slice %arg4[%select_n3A, %add3A_235, %dma_wait3A_236, %dma_wait3A_237] : memref<4x1024x8x1024xf32, #tpu.memory_space<hbm>> -> memref<1x32x8x128xf32, #tpu.memory_space<hbm>>
    %dma_wait3A_239 = tpu.memref_squeeze %dma_wait3A_238 : memref<1x32x8x128xf32, #tpu.memory_space<hbm>> -> memref<32x8x128xf32, #tpu.memory_space<hbm>>
    %dma_wait3A_240 = arith.constant 0 : i32
    %dma_wait3A_241 = arith.constant 896 : i32
    %dma_wait3A_242 = tpu.memref_slice %arg4[%select_n3A, %add3A_235, %dma_wait3A_240, %dma_wait3A_241] : memref<4x1024x8x1024xf32, #tpu.memory_space<hbm>> -> memref<1x32x8x128xf32, #tpu.memory_space<hbm>>
    %dma_wait3A_243 = tpu.memref_squeeze %dma_wait3A_242 : memref<1x32x8x128xf32, #tpu.memory_space<hbm>> -> memref<32x8x128xf32, #tpu.memory_space<hbm>>
    tpu.wait_dma2 semaphore(%arg16 : memref<!tpu.dma_semaphore, #tpu.memory_space<semaphore_mem>>) src(%arg10 : memref<32x8x128xf32, #tpu.memory_space<vmem>>) dst(%dma_wait3A_243 : memref<32x8x128xf32, #tpu.memory_space<hbm>>)
    return
  }
}

</mosaic_0001>

<sc_bundles>
// kernel: kernel.3.cloned.1.call-start
scs
__scs_entry_jumppad:
0x0: {  	(pc) =	sbr.rel $0x88, $3  }
0x1: {  	(tag) =	ssettag $0x0;
	lr =	simm.s32 $0x1  }
0x2: {  	[smem:$0x3F9F] =	sst lr;
	_ =	strace $0xD0000000  }
0x3: {  	_ = 	snop  }
0x4: {  	_ = 	snop  }
0x5: {  	_ = 	snop  }
0x6: {  	_ = 	snop  }
0x7: {  	_ = 	snop  }
__scs_overlays_trampoline_lowered:
0x8: {  	[smem:$0x3FAE] =	sst s0  }
0x9: {  	[smem:$0x3FAF] =	sst s1  }
0xa: {  	[smem:$0x3FB0] =	sst s2  }
0xb: {  	[smem:$0x3FB1] =	sst s3  }
0xc: {  	[smem:$0x3FB2] =	sst s4  }
0xd: {  	[smem:$0x3FB3] =	sst s5  }
0xe: {  	[smem:$0x3FB4] =	sst s6  }
0xf: {  	[smem:$0x3FB5] =	sst s7  }
0x10: {  	[smem:$0x3FB6] =	sst s8  }
0x11: {  	[smem:$0x3FB7] =	sst s9;
	s0 =	simm.s32 @!p0 $0x0  }
0x12: {  	s1 =	sld [smem:$0x3F9D];
	s0 =	simm.s32 @p0 $0x1  }
0x13: {  	[smem:$0x3FB8] =	sst s0;
	s0 =	simm.s32 @!p1 $0x0  }
0x14: {  	s2 =	sld [smem:$0x3F9C];
	s0 =	simm.s32 @p1 $0x1  }
0x15: {  	[smem:$0x3FB9] =	sst s0;
	s0 =	simm.s32 @!p2 $0x0  }
0x16: {  	s3 =	sld [smem:$0x3FDB];
	s0 =	simm.s32 @p2 $0x1  }
0x17: {  	s4 =	simm.s32 $0x1BF5;
	[smem:$0x3FBB] =	sst s0  }
0x18: {  	s0 =	sld [smem:$0x3F9E];
	_ =	swait.ge [sflag:s4], $0x0  }
0x19: {  	s7 =	sld [smem:$0x3F9F]  }
0x1a: {  	s8 =	sadd.s32 $0xFFFFE003, lr  }
0x1b: {  	s9 =	sadd.s32 $0xFFFFFEF7, lr;
	s5 =	simm.s32 $0xFFFFFFFF;
	p2 =	slt.u32 s8, $0xFFFFF086  }
0x1c: {  	p1 =	slt.u32 s9, $0xF7A;
	s5 =	simm.s32 @!p2 $0x0  }
0x1d: {  	s5 =	simm.s32 @p1 $0x1;
	p0 =	seq.s32 s7, s2  }
0x1e: {  	s7 =	smul.u32 @!p0 $0xF7A, s2;
	p2 =	seq.s32 @!p0 s5, $0x0  }
0x1f: {  	s9 =	smul.u32 $0xF7A, s1;
	s8 =	simm.s32 @!p0 $0x1BF5;
	p2 =	por !p2, p0  }
0x20: {  	[sflag:s8] =	ssyncset.s32 @!p0 $0xFFFFF086;
	s6 =	sadd.s32 @!p0 s3, s7;
	s7 =	simm.s32 @!p0 $0x108  }
0x21: {  	s3 =	sadd.s32 s3, s9;
	s6 =	sadd.s32 @!p0 $0x88, s6;
	s7 =	simm.s32 @p2 $0x1082  }
0x22: {  	[simem:s7], [sflag:s8] =	dma.local @!p0 [hbm:s6], $0xF7A  }
0x23: {  	s9 =	sor.u32 $0xD0000000, s2;
	s6 =	simm.s32 $0x108;
	_ =	swait.ge @!p0 [sflag:s8], $0x0  }
0x24: {  	s3 =	sadd.s32 $0x88, s3;
	s6 =	simm.s32 @!p1 $0x1082;
	[sflag:s4] =	ssyncset.s32 $0xFFFFF086  }
0x25: {  	[simem:s6], [sflag:s4] =	dma.local [hbm:s3], $0xF7A  }
0x26: {  	[smem:$0x3F9F] =	sst s1;
	(tag) =	ssettag s2;
	_ =	strace s9  }
0x27: {  	s1 =	sld [smem:$0x3FAF]  }
0x28: {  	s2 =	sld [smem:$0x3FB0]  }
0x29: {  	s4 =	sld [smem:$0x3FB2]  }
0x2a: {  	p0 =	seq.s32 s5, $0x0;
	s5 =	sld [smem:$0x3FB3]  }
0x2b: {  	s6 =	sld [smem:$0x3FB4]  }
0x2c: {  	s7 =	sld [smem:$0x3FB5]  }
0x2d: {  	s3 =	simm.s32 $0x108;
	s8 =	sld [smem:$0x3FB6]  }
0x2e: {  	s3 =	simm.s32 @!p0 $0x1082;
	s9 =	sld [smem:$0x3FB7]  }
0x2f: {  	lr =	sadd.s32 s0, s3;
	s0 =	sld [smem:$0x3FAE]  }
0x30: {  	s3 =	sld [smem:$0x3FB1]  }
0x31: {  	[smem:$0x3FBA] =	sst s10  }
0x32: {  	s10 =	sld [smem:$0x3FB8];
	_ =	sdelay $0x3  }
0x33: {  	p0 =	seq.s32 s10, $0x1;
	s10 =	sld [smem:$0x3FBA];
	_ =	sdelay $0x3  }
0x34: {  	[smem:$0x3FBA] =	sst s10  }
0x35: {  	s10 =	sld [smem:$0x3FB9];
	_ =	sdelay $0x3  }
0x36: {  	p1 =	seq.s32 s10, $0x1;
	s10 =	sld [smem:$0x3FBA];
	_ =	sdelay $0x3  }
0x37: {  	[smem:$0x3FBA] =	sst s10  }
0x38: {  	s10 =	sld [smem:$0x3FBB]  }
0x39: {  	_ = 	snop;
	(pc) =	sbr.ind lr, $3  }
0x3a: {  	_ = 	snop  }
0x3b: {  	_ = 	snop  }
0x3c: {  	p2 =	seq.s32 s10, $0x1;
	s10 =	sld [smem:$0x3FBA]  }
0x3d: {  	_ =	shalt  }
0x3e: {  	_ =	shalt  }
0x3f: {  	_ =	shalt  }
0x40: {  	_ =	shalt  }
0x41: {  	_ =	shalt  }
0x42: {  	_ =	shalt  }
0x43: {  	_ =	shalt  }
0x44: {  	_ =	shalt  }
0x45: {  	_ =	shalt  }
0x46: {  	_ =	shalt  }
0x47: {  	_ =	shalt  }
0x48: {  	_ =	shalt  }
0x49: {  	_ =	shalt  }
0x4a: {  	_ =	shalt  }
0x4b: {  	_ =	shalt  }
0x4c: {  	_ =	shalt  }
0x4d: {  	_ =	shalt  }
0x4e: {  	_ =	shalt  }
0x4f: {  	_ =	shalt  }
0x50: {  	_ =	shalt  }
0x51: {  	_ =	shalt  }
0x52: {  	_ =	shalt  }
0x53: {  	_ =	shalt  }
0x54: {  	_ =	shalt  }
0x55: {  	_ =	shalt  }
0x56: {  	_ =	shalt  }
0x57: {  	_ =	shalt  }
0x58: {  	_ =	shalt  }
0x59: {  	_ =	shalt  }
0x5a: {  	_ =	shalt  }
0x5b: {  	_ =	shalt  }
0x5c: {  	_ =	shalt  }
0x5d: {  	_ =	shalt  }
0x5e: {  	_ =	shalt  }
0x5f: {  	_ =	shalt  }
0x60: {  	_ =	shalt  }
0x61: {  	_ =	shalt  }
0x62: {  	_ =	shalt  }
0x63: {  	_ =	shalt  }
0x64: {  	_ =	shalt  }
0x65: {  	_ =	shalt  }
0x66: {  	_ =	shalt  }
0x67: {  	_ =	shalt  }
0x68: {  	_ =	shalt  }
0x69: {  	_ =	shalt  }
0x6a: {  	_ =	shalt  }
0x6b: {  	_ =	shalt  }
0x6c: {  	_ =	shalt  }
0x6d: {  	_ =	shalt  }
0x6e: {  	_ =	shalt  }
0x6f: {  	_ =	shalt  }
0x70: {  	_ =	shalt  }
0x71: {  	_ =	shalt  }
0x72: {  	_ =	shalt  }
0x73: {  	_ =	shalt  }
0x74: {  	_ =	shalt  }
0x75: {  	_ =	shalt  }
0x76: {  	_ =	shalt  }
0x77: {  	_ =	shalt  }
0x78: {  	_ =	shalt  }
0x79: {  	_ =	shalt  }
0x7a: {  	_ =	shalt  }
0x7b: {  	_ =	shalt  }
0x7c: {  	_ =	shalt  }
0x7d: {  	_ =	shalt  }
0x7e: {  	_ =	shalt  }
0x7f: {  	_ =	shalt  }
0x80: {  	_ =	shalt  }
0x81: {  	_ =	shalt  }
0x82: {  	_ =	shalt  }
0x83: {  	_ =	shalt  }
0x84: {  	_ =	shalt  }
0x85: {  	_ =	shalt  }
0x86: {  	_ =	shalt  }
0x87: {  	_ =	shalt  }
.Lfunc_end0:
.L_simem_size_0:
called_computation_lowered:
.L_overlay_start_0:
0x88: {  	s2 =	sld [smem:$0x3FD9]  }
0x89: {  	s3 =	sld [smem:$0x3FFE];
	_ =	sdelay $0x1  }
0x8a: {  	s1 =	srdreg.scid  }
0x8b: {  	s0 =	sand.u32 $0x1, s1  }
0x8c: {  	s18 =	sshll.u32 s0, $0xA;
	s2 =	sadd.s32 s3, s2  }
0x8d: {  	s2 =	sadd.s32 s2, s18  }
0x8e: {  	[smem:$0x3FC6] =	sst s2  }
0x8f: {  	_ = 	snop  }
0x90: {  	s2 =	sld [smem:$0x3FC9]  }
0x91: {  	s19 =	sld [smem:$0x3FC8]  }
0x92: {  	s4 =	sld [smem:$0x3FD0];
	(tm) =	ssettm $0x1  }
0x93: {  	s5 =	sld [smem:$0x3FFB];
	_ =	sdelay $0x3  }
0x94: {  	_ =	strace s5  }
0x95: {  	s5 =	sld [smem:$0x3FFC];
	_ =	sdelay $0x3  }
0x96: {  	_ =	strace s5  }
0x97: {  	s5 =	sld [smem:$0x3FFD];
	_ =	sdelay $0x3  }
0x98: {  	_ =	strace s5  }
0x99: {  	_ =	strace $0x8FFFFFFF  }
0x9a: {  	s20 =	sld [smem:$0x3FDB];
	_ =	sdelay $0x1  }
0x9b: {  	s6 =	simm.s32 $_scs_section_size  }
0x9c: {  	s7 =	simm.s32 $_size__tile_overlayer_lowered;
	s8 =	simm.s32 $_tile_overlayer_lowered  }
0x9d: {  	s23 =	simm.s32 $0x1BFF;
	s22 =	sshll.u32 s8, $0x1;
	s5 =	sadd.s32 s6, s20  }
0x9e: {  	s9 =	simm.s32 $0x0;
	s21 =	sshll.u32 s7, $0x1;
	s7 =	sadd.s32 s22, s5  }
0x9f: {  	[timem:s9], [sflag:s23] =	dma.local [hbm:s7], s21  }
0xa0: {  	_ =	swait.ge [sflag:s23], s21  }
0xa1: {  	s6 =	ssub.s32 $0x0, s21;
	[sflag:s23] =	ssyncset.done $0x0  }
0xa2: {  	[sflag:s23] =	ssyncadd.s32 s6;
	_ =	sdelay $0x1  }
0xa3: {  	s24 =	simm.s32 $0x1B8B  }
0xa4: {  	_ =	swait.ge [sflag:s24], $0x1  }
0xa5: {  	[sflag:s24] =	ssyncset.done $0x0  }
0xa6: {  	s25 =	simm.s32 $0x1B8E;
	[sflag:s24] =	ssyncadd.s32 $0xFFFFFFFF  }
0xa7: {  	s26 =	simm.s32 $execute0_lowered;
	[smem:$0x3FD2] =	sst s25  }
0xa8: {  	s6 =	sshll.u32 s26, $0x1;
	_ =	strace $0x80000046;
	[dreg:$0x1] =	wrdreg $0xFFFFFFFF  }
0xa9: {  	s28 =	simm.s32 $_size_execute0_lowered;
	s5 =	sadd.s32 s5, s6;
	[dreg:$0x0] =	wrdreg $0x0  }
0xaa: {  	s6 =	sshll.u32 s28, $0x1;
	[dreg:$0x2] =	wrdreg s5  }
0xab: {  	[dreg:$0x3] =	wrdreg s6  }
0xac: {  	[dreg:$0x4] =	wrdreg $0xC0  }
0xad: {  	_ =	task [dreg:s9], $0x5FFFF  }
0xae: {  	[dreg:$0x1] =	wrdreg $0xFFFFFFFF  }
0xaf: {  	[dreg:$0x0] =	wrdreg $0x60  }
0xb0: {  	[dreg:$0x2] =	wrdreg s2  }
0xb1: {  	[dreg:$0x3] =	wrdreg s19  }
0xb2: {  	[dreg:$0x4] =	wrdreg s4  }
0xb3: {  	[dreg:$0x5] =	wrdreg $0x9  }
0xb4: {  	_ =	task.clear_ibuf [dreg:s9], $0x6FFFF;
	_ =	strace $0x90000046  }
0xb5: {  	s29 =	simm.s32 $0x9;
	_ =	strace $0x80000048  }
0xb6: {  	_ =	swait.ge [sflag:s29], $0x1  }
0xb7: {  	[sflag:s29] =	ssyncadd.s32 $0xFFFFFFFF  }
0xb8: {  	_ =	strace $0x90000048  }
0xb9: {  	_ =	sfence  }
0xba: {  	s30 =	sld [smem:$0x0];
	_ =	sdelay $0x2  }
0xbb: {  	s31 =	sshll.u32 s1, $0xD;
	s1 =	sshrl.u32 s1, $0x2  }
0xbc: {  	s3 =	sand.u32 $0x4000, s31;
	s1 =	sadd.s32 s1, s30  }
0xbd: {  	s0 =	sor.u32 s3, s0;
	s1 =	sshll.u32 s1, $0x11  }
0xbe: {  	s0 =	sor.u32 s1, s0  }
0xbf: {  	s0 =	sadd.s32 $0x8F2B, s0  }
0xc0: {  	[sflag:s0] =	ssyncadd.remote.s32 $0x1  }
0xc1: {  	_ =	sfence.sel $0xFFFF  }
0xc2: {  	[dreg:$0x0] =	wrdreg $0xFFFFFFFF;
	(pc) =	sbr.abs _section_cstart, $3  }
0xc3: {  	[dreg:$0x1] =	wrdreg $0xFFFFFFFF  }
0xc4: {  	_ =	task.clear_ibuf [dreg:s9], $0x2FFFF;
	_ =	strace $0x9FFFFFFF  }
0xc5: {  	(tm) =	ssettm $0x7FFFFFFF  }
tec
execute0_lowered:
.L_overlay_start_1:
0x0: {  	(tag) =	ssettag $0x1  }
0x1: {  	s2 =	rddreg [dreg:$0x0]  }
0x2: {  	s3 =	rddreg [dreg:$0x1]  }
0x3: {  	s4 =	rddreg [dreg:$0x2];
	s6 =	stileid.u32;
	s5 =	simm.s32 $0x0  }
0x4: {  	s0 =	srdreg.scid;
	s17 =	simm.s32 $0x400;
	s18 =	simm.s32 $0x8000  }
0x5: {  	s19 =	simm.s32 $0x2000;
	s21 =	simm.s32 $0x1;
	s22 =	simm.s32 $0x2  }
0x6: {  	s23 =	simm.s32 $0x3;
	s24 =	simm.s32 $0xC000;
	s25 =	simm.s32 $0x4  }
0x7: {  	s1 =	sshll.u32 s6, $0x1;
	[smem:$0x7FF] =	sst s5;
	s0 =	sand.u32 $0x1, s0  }
0x8: {  	s12 =	sshrl.u32 s6, $0x2;
	s1 =	sand.u32 $0x6, s1;
	_ =	strace $0x80000047  }
0x9: {  	s6 =	sshll.u32 s12, $0x16;
	s1 =	sor.u32 s0, s1;
	s0 =	ssub.s32 $0x2, s0  }
0xa: {  	s9 =	sshll.u32 s1, $0x13;
	s7 =	sshll.u32 s1, $0xC;
	s10 =	sshrl.u32 s0, $0x1  }
0xb: {  	s8 =	sor.u32 s6, s7;
	s9 =	sor.u32 s6, s9;
	s0 =	ssub.s32 s0, s10  }
0xc: {  	s11 =	sshrl.u32 s8, $0x3;
	s13 =	sshrl.u32 s9, $0x3;
	s0 =	smax.u32 s0, $0x1  }
.Ltmp0:
0xd: {  	s26 =	sadd.s32 s3, s11;
	[dreg:$0x8] =	wrdreg s0;
	(pc) =	sbr.rel .LBB2_1-.Ltmp0, $4  }
0xe: {  	s29 =	simm.s32 $0x6;
	s28 =	sadd.s32 s2, s13;
	[dreg:$0x4] =	wrdreg s26  }
0xf: {  	s30 =	simm.s32 $0x0;
	s10 =	sadd.s32 $0x8000, s26;
	[dreg:$0x5] =	wrdreg s28  }
0x10: {  	s14 =	sshll.u32 s12, $0x17;
	s31 =	sadd.s32 $0x80, s28;
	[dreg:$0x6] =	wrdreg s10  }
0x11: {  	s15 =	sshll.u32 s1, $0x14;
	s26 =	simm.s32 $0x14000;
	[dreg:$0x7] =	wrdreg s31  }
.LBB2_4:
0x12: {  	s0 =	simm.s32 $0x5  }
0x13: {  	_ =	swait.ge [sflag:s0], $0x8000  }
0x14: {  	[sflag:s0] =	ssyncset.done $0x0  }
0x15: {  	[sflag:s0] =	ssyncadd.s32 $0xFFFF8000  }
0x16: {  	_ =	swait.ge [sflag:s29], $0x8000  }
0x17: {  	s30 =	sadd.s32 $0x1, s30;
	s31 =	rddreg [dreg:$0x8]  }
0x18: {  	p0 =	sne.s32 s30, s31  }
.Ltmp1:
0x19: {  	_ = 	snop;
	(pc) =	sbr.rel @!p0 .LBB2_5-.Ltmp1, $3  }
0x1a: {  	_ =	sdelay $0x1  }
0x1b: {  	[sflag:s29] =	ssyncset.done $0x0  }
0x1c: {  	[sflag:s29] =	ssyncadd.s32 $0xFFFF8000  }
.LBB2_1:
0x1d: {  	s0 =	rddreg [dreg:$0x4]  }
0x1e: {  	s16 =	rddreg [dreg:$0x6]  }
0x1f: {  	[tilespmem:s5], [sflag:$0x1] =	stream.strided.gather [hbm4b:s0+s17], $0x2000, s18, s17, $0x38;
	[tilespmem:$0x1C000] =	vst v63  }
0x20: {  	s20 =	rddreg [dreg:$0x5];
	s1 =	simm.s32 $0x4000  }
0x21: {  	[tilespmem:s19], [sflag:$0x2] =	stream.strided.gather [hbm4b:s16+s17], $0x2000, s18, s17, $0x38;
	[tilespmem:$0x1C000] =	vst v63  }
0x22: {  	s28 =	rddreg [dreg:$0x7];
	s31 =	simm.s32 $0x100000;
	s12 =	simm.s32 $0xC000  }
0x23: {  	[tilespmem:s1], [sflag:$0x3] =	stream.strided.gather [hbm4b:s20+s17], $0x4000, s19, s17, $0x38;
	[tilespmem:$0x1C000] =	vst v63  }
0x24: {  	s0 =	simm.s32 $0xC00;
	s1 =	simm.s32 $0x100;
	s20 =	simm.s32 $0x0  }
0x25: {  	[tilespmem:s18], [sflag:$0x4] =	stream.strided.gather [hbm4b:s28+s17], $0x4000, s19, s17, $0x38;
	[tilespmem:$0x1C000] =	vst v63  }
.LBB2_2:
0x26: {  	_ =	swait.ge [sflag:s21], $0x2000  }
0x27: {  	[sflag:s21] =	ssyncset.done $0x0  }
0x28: {  	[sflag:s21] =	ssyncadd.s32 $0xFFFFE000  }
0x29: {  	_ =	swait.ge [sflag:s22], $0x2000  }
0x2a: {  	[sflag:s22] =	ssyncset.done $0x0  }
0x2b: {  	s13 =	sadd.s32 $0xFFFFF400, s0;
	[sflag:s22] =	ssyncadd.s32 $0xFFFFE000  }
0x2c: {  	p0 =	seq.s32 s0, $0xC00;
	s10 =	sand.u32 $0xC0000, s20;
	_ =	swait.ge [sflag:s23], $0x4000  }
0x2d: {  	s13 =	sand.u32 $0x1800, s13;
	s11 =	simm.s32 @!p0 $0x5;
	[sflag:s23] =	ssyncset.done $0x0  }
0x2e: {  	s10 =	sor.u32 s15, s10;
	s13 =	sor.u32 s14, s13;
	[sflag:s23] =	ssyncadd.s32 $0xFFFFC000  }
0x2f: {  	s13 =	sor.u32 s10, s13;
	_ =	swait.ge @!p0 [sflag:s11], $0x8000  }
0x30: {  	s16 =	sadd.s32 $0xFFF80000, s31;
	s13 =	sshrl.u32 s13, $0x3;
	[sflag:s11] =	ssyncset.done @!p0 $0x0  }
0x31: {  	s28 =	sadd.s32 $0xFFFFFF00, s1;
	s13 =	sadd.s32 s4, s13;
	[sflag:s11] =	ssyncadd.s32 @!p0 $0xFFFF8000  }
0x32: {  	[hbm4b:s13+s17] =	stream.strided.scatter [tilespmem:s24], [sflag:$0x5], $0x8000, s19, s17, $0x38;
	[tilespmem:$0x1C000] =	vst v63  }
0x33: {  	s11 =	sand.u32 $0x380000, s16;
	s13 =	sand.u32 $0xC00, s28  }
0x34: {  	s11 =	sor.u32 s11, s13  }
0x35: {  	s11 =	sor.u32 s8, s11  }
0x36: {  	s11 =	sshrl.u32 s11, $0x3  }
0x37: {  	s16 =	sadd.s32 s3, s11;
	s11 =	sor.u32 $0x8000, s11  }
0x38: {  	[tilespmem:s5], [sflag:$0x1] =	stream.strided.gather [hbm4b:s16+s17], $0x2000, s18, s17, $0x38;
	[tilespmem:$0x1C000] =	vst v63  }
0x39: {  	p1 =	seq.s32 s0, $0x8400;
	s11 =	sadd.s32 s3, s11  }
0x3a: {  	[tilespmem:s19], [sflag:$0x2] =	stream.strided.gather [hbm4b:s11+s17], $0x2000, s18, s17, $0x38;
	[tilespmem:$0x1C000] =	vst v63  }
0x3b: {  	s11 =	sadd.s32 @!p1 $0xFFFFC000, s12  }
0x3c: {  	s13 =	sadd.s32 @!p1 $0xFFFFFC00, s0;
	s11 =	sand.u32 @!p1 $0xE0000, s11  }
0x3d: {  	s13 =	sand.u32 @!p1 $0x1800, s13;
	s11 =	sadd.s32 @!p1 s11, s9  }
0x3e: {  	s11 =	sor.u32 @!p1 s13, s11  }
0x3f: {  	s28 =	simm.s32 @!p1 $0x4000;
	s11 =	sshrl.u32 @!p1 s11, $0x3  }
0x40: {  	s16 =	simm.s32 @!p1 $0x2000;
	s13 =	simm.s32 @!p1 $0x400;
	s11 =	sadd.s32 @!p1 s2, s11  }
0x41: {  	[tilespmem:s28], [sflag:$0x3] =	stream.strided.gather @!p1 [hbm4b:s11+s13], $0x4000, s16, s13, $0x38;
	[tilespmem:$0x1C000] =	vst v63  }
0x42: {  	_ =	swait.ge [sflag:s21], $0x2000  }
0x43: {  	[sflag:s21] =	ssyncset.done $0x0  }
0x44: {  	[sflag:s21] =	ssyncadd.s32 $0xFFFFE000  }
0x45: {  	_ =	swait.ge [sflag:s22], $0x2000  }
0x46: {  	[sflag:s22] =	ssyncset.done $0x0  }
0x47: {  	[sflag:s22] =	ssyncadd.s32 $0xFFFFE000  }
0x48: {  	s28 =	sadd.s32 $0xFFFFF800, s0;
	_ =	swait.ge [sflag:s25], $0x4000  }
0x49: {  	s13 =	simm.s32 @!p0 $0x6;
	s11 =	sand.u32 $0x1C00, s28;
	[sflag:s25] =	ssyncset.done $0x0  }
.Ltmp2:
0x4a: {  	s11 =	sor.u32 s11, s14;
	[sflag:s25] =	ssyncadd.s32 $0xFFFFC000;
	(pc) =	sbr.rel @p1 .LBB2_4-.Ltmp2, $4  }
0x4b: {  	s10 =	sor.u32 s10, s11;
	_ =	swait.ge @!p0 [sflag:s13], $0x8000  }
0x4c: {  	s10 =	sshrl.u32 s10, $0x3;
	[sflag:s13] =	ssyncset.done @!p0 $0x0  }
0x4d: {  	s10 =	sadd.s32 s4, s10;
	[sflag:s13] =	ssyncadd.s32 @!p0 $0xFFFF8000  }
0x4e: {  	[hbm4b:s10+s17] =	stream.strided.scatter [tilespmem:s26], [sflag:$0x6], $0x8000, s19, s17, $0x38;
	[tilespmem:$0x1C000] =	vst v63  }
0x4f: {  	s10 =	sand.u32 $0x1C00, s1  }
0x50: {  	s11 =	sand.u32 $0x300000, s31;
	s10 =	sadd.s32 s7, s10  }
0x51: {  	s10 =	sor.u32 s10, s11  }
0x52: {  	s10 =	sor.u32 s6, s10  }
0x53: {  	s10 =	sshrl.u32 s10, $0x3  }
0x54: {  	s13 =	sadd.s32 s3, s10;
	s10 =	sor.u32 $0x8000, s10  }
0x55: {  	[tilespmem:s5], [sflag:$0x1] =	stream.strided.gather [hbm4b:s13+s17], $0x2000, s18, s17, $0x38;
	[tilespmem:$0x1C000] =	vst v63  }
0x56: {  	s16 =	sand.u32 $0xE0000, s12;
	s10 =	sadd.s32 s3, s10  }
0x57: {  	[tilespmem:s19], [sflag:$0x2] =	stream.strided.gather [hbm4b:s10+s17], $0x2000, s18, s17, $0x38;
	[tilespmem:$0x1C000] =	vst v63  }
.Ltmp3:
0x58: {  	s28 =	sand.u32 $0x1C00, s0;
	s10 =	sadd.s32 s16, s9;
	(pc) =	sbr.rel .LBB2_2-.Ltmp3, $4  }
0x59: {  	s31 =	sadd.s32 $0x100000, s31;
	s10 =	sor.u32 s28, s10  }
0x5a: {  	s0 =	sadd.s32 $0x800, s0;
	s1 =	sadd.s32 $0x100, s1;
	s10 =	sshrl.u32 s10, $0x3  }
0x5b: {  	s12 =	sadd.s32 $0x8000, s12;
	s20 =	sadd.s32 $0x10000, s20;
	s10 =	sadd.s32 s2, s10  }
0x5c: {  	[tilespmem:s18], [sflag:$0x4] =	stream.strided.gather [hbm4b:s10+s17], $0x4000, s19, s17, $0x38;
	[tilespmem:$0x1C000] =	vst v63  }
.LBB2_5:
0x5d: {  	_ =	sfence.sel $0x180000  }
0x5e: {  	[bflag:$0x0] =	sbarrier.arrive $0xFFFF  }
0x5f: {  	_ =	strace $0x90000047  }
0x60: {  	s0 =	stileid.u32;
	[bflag:$0x2] =	sbarrier.arrive $0xFFFF  }
0x61: {  	p0 =	sne.s32 s0, $0x0;
	s0 =	rddreg [dreg:$0x3]  }
0x62: {  	s0 =	sadd.s32 @!p0 $0x100000, s0  }
0x63: {  	[sflag:s0] =	ssyncadd.tile.s32 @!p0 $0x1;
	_ =	shalt  }
.Lfunc_end2:
_tile_overlayer_lowered:
.L_overlay_start_2:
0x64: {  	(tag) =	ssettag $0x2  }
0x65: {  	s0 =	rddreg [dreg:$0x0];
	s2 =	stileid.u32  }
0x66: {  	s1 =	rddreg [dreg:$0x1];
	p0 =	sne.s32 s2, $0x0  }
0x67: {  	s3 =	rddreg [dreg:$0x2];
	[bflag:$0x3] =	sbarrier.arrive $0xFFFF;
	s2 =	simm.s32 @!p0 $0x1C07  }
0x68: {  	[timem:s3], [sflag:s2] =	dma.local @!p0 [hbm:s0], s1  }
0x69: {  	s0 =	simm.s32 @!p0 $0x7  }
0x6a: {  	_ =	swait.ge @!p0 [sflag:s0], s1  }
0x6b: {  	s1 =	ssub.s32 @!p0 $0x0, s1;
	[sflag:s0] =	ssyncset.done @!p0 $0x0  }
0x6c: {  	[sflag:s0] =	ssyncadd.s32 @!p0 s1  }
0x6d: {  	[bflag:$0x3] =	sbarrier.arrive $0xFFFF  }
0x6e: {  	_ =	shalt  }

</sc_bundles>
